<compile_context>
chip_gen: v7x
topology: tpu7x:2x2x1
jax: 0.10.2.dev20260603
libtpu: 0.0.44.dev20260713+nightly
codegen_flags: <defaults>
</compile_context>

<pallas_src>
import functools

import jax
import jax.numpy as jnp
from jax import lax
from jax.experimental import pallas as pl
from jax.experimental.pallas import tpu as pltpu
from jax.experimental.pallas import tpu_sc as plsc

_NUM_BATCHES = 4
_RES = 128
_OCC_THRE = 0.01
_EMA_DECAY = 0.95
_NUM_PTS = 1048576

_NC = 2
_NS = 16
_NW = _NC * _NS
_L = 16

_GRID = _NUM_BATCHES * _RES * _RES * _RES
_NBUK = 128
_V = _GRID // _NBUK
_BUK_PER_W = _NBUK // _NW

_P = _NUM_PTS // _NW
_CP = 2048
_CH = 512
_WIN = _CH + 16
_WINW = 2 * _WIN

_BINNED_N = 2 * _NUM_PTS + 4096

_mesh = plsc.VectorSubcoreMesh(
    core_axis_name="c", subcore_axis_name="s", num_cores=_NC, num_subcores=_NS
)
_sc_params = pltpu.CompilerParams(needs_layout_passes=False)


def _wid():
    return lax.axis_index("s") * _NC + lax.axis_index("c")


def _iota():
    return lax.iota(jnp.int32, _L)



@functools.partial(
    pl.kernel,
    out_type=(
        jax.ShapeDtypeStruct((_BINNED_N,), jnp.int32),
        jax.ShapeDtypeStruct((_NW * _NBUK,), jnp.int32),
    ),
    mesh=_mesh,
    scratch_types=[
        pltpu.VMEM((_P,), jnp.int32),
        pltpu.VMEM((2 * _P,), jnp.int32),
        pltpu.VMEM((3 * _CP,), jnp.float32),
        pltpu.VMEM((_CP,), jnp.int32),
        pltpu.VMEM((_CP,), jnp.float32),
        pltpu.VMEM((_NBUK * _L,), jnp.int32),
        pltpu.VMEM((_NBUK * _L,), jnp.int32),
        pltpu.VMEM((_NBUK,), jnp.int32),
    ],
    compiler_params=_sc_params,
)
def _phase1(pts_hbm, bidx_hbm, val_hbm, binned_hbm, tot_hbm,
            idxbuf, binned_st, pts_st, bidx_st, val_st, cnt16, off16, tot_st):
    w = _wid()
    base = w * _P
    lanes = _iota()
    zeros = jnp.zeros((_L,), jnp.int32)

    def zcnt(k, _):
        cnt16[pl.ds(k * _L, _L)] = zeros
        return 0

    lax.fori_loop(0, _NBUK * _L // _L, zcnt, 0)

    def chunk_a(c, _):
        off = base + c * _CP
        pltpu.sync_copy(pts_hbm.at[pl.ds(off, _CP)], pts_st.at[pl.ds(0, _CP)])
        pltpu.sync_copy(pts_hbm.at[pl.ds(_NUM_PTS + off, _CP)],
                        pts_st.at[pl.ds(_CP, _CP)])
        pltpu.sync_copy(pts_hbm.at[pl.ds(2 * _NUM_PTS + off, _CP)],
                        pts_st.at[pl.ds(2 * _CP, _CP)])
        pltpu.sync_copy(bidx_hbm.at[pl.ds(off, _CP)], bidx_st)

        def vec(k, _):
            x = pts_st[pl.ds(k * _L, _L)]
            y = pts_st[pl.ds(_CP + k * _L, _L)]
            z = pts_st[pl.ds(2 * _CP + k * _L, _L)]
            b = bidx_st[pl.ds(k * _L, _L)]
            xi = jnp.clip((x * float(_RES)).astype(jnp.int32), 0, _RES - 1)
            yi = jnp.clip((y * float(_RES)).astype(jnp.int32), 0, _RES - 1)
            zi = jnp.clip((z * float(_RES)).astype(jnp.int32), 0, _RES - 1)
            flat = (b << 21) | (xi << 14) | (yi << 7) | zi
            idxbuf[pl.ds(c * _CP + k * _L, _L)] = flat
            cidx = lax.shift_right_logical(flat, 16) * _L + lanes
            cur = plsc.load_gather(cnt16, [cidx])
            plsc.store_scatter(cnt16, [cidx], cur + 1)
            return 0

        lax.fori_loop(0, _CP // _L, vec, 0)
        return 0

    lax.fori_loop(0, _P // _CP, chunk_a, 0)

    def pref(b, c):
        v = cnt16[pl.ds(b * _L, _L)]
        cs = plsc.cumsum(v)
        t = jnp.sum(v)
        off16[pl.ds(b * _L, _L)] = (cs - v) + c
        plsc.store_scatter(tot_st, [zeros + b], zeros + t, mask=lanes == 0)
        return c + t

    lax.fori_loop(0, _NBUK, pref, 0)

    def chunk_b(c, _):
        off = base + c * _CP
        pltpu.sync_copy(val_hbm.at[pl.ds(off, _CP)], val_st)

        def vec(k, _):
            flat = idxbuf[pl.ds(c * _CP + k * _L, _L)]
            vv = val_st[pl.ds(k * _L, _L)]
            cidx = lax.shift_right_logical(flat, 16) * _L + lanes
            p = plsc.load_gather(off16, [cidx])
            plsc.store_scatter(off16, [cidx], p + 1)
            plsc.store_scatter(binned_st, [p * 2], flat)
            plsc.store_scatter(binned_st, [p * 2 + 1], plsc.bitcast(vv, jnp.int32))
            return 0

        lax.fori_loop(0, _CP // _L, vec, 0)
        return 0

    lax.fori_loop(0, _P // _CP, chunk_b, 0)

    pltpu.sync_copy(binned_st, binned_hbm.at[pl.ds(w * (2 * _P), 2 * _P)])
    pltpu.sync_copy(tot_st, tot_hbm.at[pl.ds(w * _NBUK, _NBUK)])



@functools.partial(
    pl.kernel,
    out_type=jax.ShapeDtypeStruct((_GRID,), jnp.float32),
    mesh=_mesh,
    scratch_types=[
        pltpu.VMEM((_V,), jnp.float32),
        pltpu.VMEM((_NW * _NBUK + _L,), jnp.int32),
        pltpu.VMEM((_NW * _WINW,), jnp.int32),
        pltpu.VMEM((_WINW,), jnp.int32),
        pltpu.VMEM((4 * _NW + _L,), jnp.int32),
        pltpu.SemaphoreType.DMA,
    ],
    compiler_params=_sc_params,
)
def _phase2(occ_hbm, binned_hbm, tot_hbm, new_hbm,
            acc, tot_st, seg_st, pair_st, par_st, sem):
    w = _wid()
    lanes = _iota()
    pltpu.sync_copy(tot_hbm, tot_st.at[pl.ds(0, _NW * _NBUK)])

    def accb(bp, c01):
        c0, c1 = c01
        c0 = c0 + plsc.load_gather(tot_st, [lanes * _NBUK + bp])
        c1 = c1 + plsc.load_gather(tot_st, [(lanes + _L) * _NBUK + bp])
        return c0, c1

    zeros = jnp.zeros((_L,), jnp.int32)
    pre0, pre1 = lax.fori_loop(0, w * _BUK_PER_W, accb, (zeros, zeros))

    def bucket_body(r, pre01):
        pre0, pre1 = pre01
        bucket = w * _BUK_PER_W + r
        gbase = bucket * _V

        ln0 = plsc.load_gather(tot_st, [lanes * _NBUK + bucket])
        ln1 = plsc.load_gather(tot_st, [(lanes + _L) * _NBUK + bucket])
        par_st[pl.ds(0, _L)] = lanes * _P + pre0
        par_st[pl.ds(_L, _L)] = (lanes + _L) * _P + pre1
        par_st[pl.ds(2 * _L, _L)] = ln0
        par_st[pl.ds(3 * _L, _L)] = ln1

        def fire(i, _):
            p0 = par_st[pl.ds(i, _L)][0]
            a0 = pl.multiple_of((p0 * 2) & ~15, 8)
            pltpu.async_copy(
                binned_hbm.at[pl.ds(a0, _WINW)],
                seg_st.at[pl.ds(i * _WINW, _WINW)], sem)
            return 0

        lax.fori_loop(0, _NW, fire, 0)

        pltpu.sync_copy(occ_hbm.at[pl.ds(gbase, _V)], acc)

        def decay(k, _):
            for u in range(4):
                o = k * (4 * _L) + u * _L
                acc[pl.ds(o, _L)] = acc[pl.ds(o, _L)] * _EMA_DECAY
            return 0

        lax.fori_loop(0, _V // (4 * _L), decay, 0)

        def drain(i, _):
            pltpu.make_async_copy(
                binned_hbm.at[pl.ds(0, _WINW)],
                seg_st.at[pl.ds(i * _WINW, _WINW)], sem).wait()
            return 0

        lax.fori_loop(0, _NW, drain, 0)

        def seg(i, _):
            p0 = par_st[pl.ds(i, _L)][0]
            ln = par_st[pl.ds(2 * _L + i, _L)][0]
            shp = p0 & 7
            sbase = i * _WINW

            def vec(k, _):
                wpos = k * _L + lanes
                vi = plsc.load_gather(seg_st, [sbase + wpos * 2])
                vv = plsc.bitcast(
                    plsc.load_gather(seg_st, [sbase + wpos * 2 + 1]), jnp.float32)
                m0 = (wpos >= shp) & (wpos < shp + _CH) & (wpos - shp < ln)
                lo = vi & (_V - 1)

                def retry(m):
                    g = plsc.load_gather(acc, [lo], mask=m)
                    plsc.store_scatter(acc, [lo], jnp.maximum(g, vv), mask=m)
                    g2 = plsc.load_gather(acc, [lo], mask=m)
                    return m & (g2 < vv)

                lax.while_loop(
                    lambda m: plsc.all_reduce_population_count(m)[0] != 0,
                    retry, m0)
                return 0

            nkv = lax.shift_right_logical(
                shp + jnp.minimum(ln, _CH) + _L - 1, 4)
            lax.fori_loop(0, nkv, vec, 0)

            nch = lax.shift_right_logical(ln + _CH - 1, _CH.bit_length() - 1)

            def chunk(j, _):
                pj = p0 + j * _CH
                a0 = pl.multiple_of((pj * 2) & ~15, 8)
                shp2 = pj & 7
                pltpu.sync_copy(binned_hbm.at[pl.ds(a0, _WINW)], pair_st)

                def vec2(k, _):
                    wpos = k * _L + lanes
                    vi = plsc.load_gather(pair_st, [wpos * 2])
                    vv = plsc.bitcast(
                        plsc.load_gather(pair_st, [wpos * 2 + 1]), jnp.float32)
                    q = wpos - shp2 + j * _CH
                    m0 = (wpos >= shp2) & (wpos < shp2 + _CH) & (q < ln)
                    lo = vi & (_V - 1)

                    def retry(m):
                        g = plsc.load_gather(acc, [lo], mask=m)
                        plsc.store_scatter(acc, [lo], jnp.maximum(g, vv), mask=m)
                        g2 = plsc.load_gather(acc, [lo], mask=m)
                        return m & (g2 < vv)

                    lax.while_loop(
                        lambda m: plsc.all_reduce_population_count(m)[0] != 0,
                        retry, m0)
                    return 0

                nkv2 = lax.shift_right_logical(
                    shp2 + jnp.minimum(ln - j * _CH, _CH) + _L - 1, 4)
                lax.fori_loop(0, nkv2, vec2, 0)
                return 0

            lax.fori_loop(1, nch, chunk, 0)
            return 0

        lax.fori_loop(0, _NW, seg, 0)
        pltpu.sync_copy(acc, new_hbm.at[pl.ds(gbase, _V)])
        return pre0 + ln0, pre1 + ln1

    lax.fori_loop(0, _BUK_PER_W, bucket_body, (pre0, pre1))



def _thr_body(x_ref, o_ref):
    o_ref[...] = x_ref[...] > _OCC_THRE


_ROWS = _GRID // 128


def _phase3(new2d):
    return pl.pallas_call(
        _thr_body,
        out_shape=jax.ShapeDtypeStruct((_ROWS, 128), jnp.bool_),
        grid=(32,),
        in_specs=[pl.BlockSpec((_ROWS // 32, 128), lambda i: (i, 0))],
        out_specs=pl.BlockSpec((_ROWS // 32, 128), lambda i: (i, 0)),
    )(new2d)


def kernel(occ_val_grid, pts, bidx, val):
    pts_planar = pts.T.reshape(-1)
    occ_flat = occ_val_grid.reshape(-1)
    binned, totals = _phase1(pts_planar, bidx, val)
    new_flat = _phase2(occ_flat, binned, totals)
    occ_bool = _phase3(new_flat.reshape(_ROWS, 128))
    shape = occ_val_grid.shape
    return new_flat.reshape(shape), occ_bool.reshape(shape)

# --- scband reference (transcript-rebuilt; emitter-appended) ---
"""Pipeline reference for scband-occ-grid-ema-batched-21242908246605 (READ-ONLY COPY).

The authoritative reference and input builder live on the scoring server;
editing this copy changes nothing except your own understanding.
"""

import jax, jax.numpy as jnp
import numpy as np

NUM_BATCHES = 4
RES = 128
OCC_THRE = 0.01
EMA_DECAY = 0.95
NUM_PTS = 1048576


def setup_inputs(seed: int = 0) -> dict:
    key = jax.random.key(seed)
    k1, k2, k3, k4 = jax.random.split(key, 4)
    occ_val_grid = jax.random.uniform(k1, (NUM_BATCHES, RES, RES, RES), dtype=jnp.float32)
    pts = jax.random.uniform(k2, (NUM_PTS, 3), dtype=jnp.float32)  # normalized coords in [0,1)
    bidx = jax.random.randint(k3, (NUM_PTS,), 0, NUM_BATCHES, dtype=jnp.int32)
    val = jax.random.uniform(k4, (NUM_PTS,), dtype=jnp.float32)  # occ_val_fn(density) outputs
    return {"occ_val_grid": occ_val_grid, "pts": pts, "bidx": bidx, "val": val}


def reference(occ_val_grid, pts, bidx, val):
    # update_batched_occ_val_grid_: scatter-max EMA update of the batched occupancy value grid
    res = jnp.array([RES, RES, RES], dtype=jnp.int32)
    gidx = jnp.floor(pts * res.astype(pts.dtype)).astype(jnp.int32)
    gidx = jnp.clip(gidx, 0, res - 1)
    # scatter-max point values into a fresh grid of current samples
    cur_val_grid = jnp.zeros_like(occ_val_grid)
    cur_val_grid = cur_val_grid.at[bidx, gidx[:, 0], gidx[:, 1], gidx[:, 2]].max(val)
    # EMA update: occ_val = max(ema_decay * occ_val, new samples)
    new_occ_val_grid = jnp.maximum(occ_val_grid * EMA_DECAY, cur_val_grid)
    # binarize (occ_thre_consider_mean=False)
    occ_grid = new_occ_val_grid > OCC_THRE
    return new_occ_val_grid, occ_grid

if __name__ == "__main__":
    import jax
    _d = setup_inputs()
    print(jax.jit(kernel)(*tuple(_d.values())))

</pallas_src>

<mosaic_0001>
#map = affine_map<(d0, d1) -> (0)>
module attributes {stable_mosaic.version = 14 : i64} {
  func.func @_phase2(%arg0: i32, %arg1: i32, %arg2: memref<8388608xf32, #tpu.memory_space<hbm>>, %arg3: memref<2101248xi32, #tpu.memory_space<hbm>>, %arg4: memref<4096xi32, #tpu.memory_space<hbm>>, %arg5: memref<8388608xf32, #tpu.memory_space<hbm>>, %arg6: memref<65536xf32, #tpu.memory_space<vmem>>, %arg7: memref<4112xi32, #tpu.memory_space<vmem>>, %arg8: memref<33792xi32, #tpu.memory_space<vmem>>, %arg9: memref<1056xi32, #tpu.memory_space<vmem>>, %arg10: memref<144xi32, #tpu.memory_space<vmem>>, %arg11: memref<!tpu.dma_semaphore, #tpu.memory_space<semaphore_mem>>) attributes {dimension_semantics = [#tpu.dimension_semantics<core_parallel>, #tpu.dimension_semantics<subcore_parallel>], iteration_bounds = array<i64: 2, 16>, scalar_prefetch = 0 : i64, scratch_operands = 6 : i64, tpu.core_type = #tpu.core_type<sc_vector_subcore>, window_params = [{transform_indices = #map}, {transform_indices = #map}, {transform_indices = #map}, {transform_indices = #map}]} {
    %mul3A = arith.constant 2 : i32
    %mul3A_0 = arith.muli %arg1, %mul3A : i32
    %add3A = arith.addi %mul3A_0, %arg0 : i32
    %iota3A = tpu.iota {dimensions = array<i32: 0>} : vector<16xi32>
    "tpu.region"() ({
      %run_scoped3A = tpu.sem_alloc : memref<!tpu.dma_semaphore, #tpu.memory_space<semaphore_mem>>
      %dma_start3A = arith.constant 0 : i32
      %dma_start3A_19 = tpu.memref_slice %arg7[%dma_start3A] : memref<4112xi32, #tpu.memory_space<vmem>> -> memref<4096xi32, #tpu.memory_space<vmem>>
      %dma_start3A_20 = arith.constant 0 : i32
      %dma_start3A_21 = tpu.memref_slice %arg7[%dma_start3A_20] : memref<4112xi32, #tpu.memory_space<vmem>> -> memref<4096xi32, #tpu.memory_space<vmem>>
      tpu.enqueue_dma source(%arg4 : memref<4096xi32, #tpu.memory_space<hbm>>) target(%dma_start3A_21 : memref<4096xi32, #tpu.memory_space<vmem>>) target_semaphore(%run_scoped3A : memref<!tpu.dma_semaphore, #tpu.memory_space<semaphore_mem>>)
      %dma_wait3A = arith.constant 0 : i32
      %dma_wait3A_22 = tpu.memref_slice %arg7[%dma_wait3A] : memref<4112xi32, #tpu.memory_space<vmem>> -> memref<4096xi32, #tpu.memory_space<vmem>>
      %dma_wait3A_23 = arith.constant 0 : i32
      %dma_wait3A_24 = tpu.memref_slice %arg7[%dma_wait3A_23] : memref<4112xi32, #tpu.memory_space<vmem>> -> memref<4096xi32, #tpu.memory_space<vmem>>
      tpu.wait_dma2 semaphore(%run_scoped3A : memref<!tpu.dma_semaphore, #tpu.memory_space<semaphore_mem>>) src(%arg4 : memref<4096xi32, #tpu.memory_space<hbm>>) dst(%dma_wait3A_24 : memref<4096xi32, #tpu.memory_space<vmem>>)
      tpu.yield
    }) : () -> ()
    %broadcast_in_dim3A = arith.constant 0 : i32
    %broadcast_in_dim3A_1 = vector.broadcast %broadcast_in_dim3A : i32 to vector<16xi32>
    %mul3A_2 = arith.constant 4 : i32
    %mul3A_3 = arith.muli %add3A, %mul3A_2 : i32
    %while3A = arith.constant 0 : i32
    %while3A_4 = arith.subi %mul3A_3, %while3A : i32
    %while3A_5 = arith.addi %while3A, %while3A_4 : i32
    %while3A_6 = arith.constant 1 : i32
    %while3A_7 = arith.divsi %while3A_4, %while3A_6 : i32
    %while3A_8 = arith.muli %while3A_7, %while3A_6 : i32
    %while3A_9 = arith.addi %while3A, %while3A_8 : i32
    %while3A_10 = arith.constant 1 : i32
    %while3A_11:2 = scf.for %while3A_19 = %while3A to %while3A_9 step %while3A_10 iter_args(%while3A_20 = %broadcast_in_dim3A_1, %while3A_21 = %broadcast_in_dim3A_1) -> (vector<16xi32>, vector<16xi32>)  : i32 {
      %mul3A_22 = arith.constant 128 : i32
      %mul3A_23 = vector.broadcast %mul3A_22 : i32 to vector<16xi32>
      %mul3A_24 = arith.muli %iota3A, %mul3A_23 : vector<16xi32>
      %add3A_25 = vector.broadcast %while3A_19 : i32 to vector<16xi32>
      %add3A_26 = arith.addi %mul3A_24, %add3A_25 : vector<16xi32>
      %gather3A = tpu.vector_load_idx %arg7[%add3A_26] : memref<4112xi32, #tpu.memory_space<vmem>>[vector<16xi32>], vector<16xi32>,
      %add3A_27 = arith.addi %while3A_20, %gather3A : vector<16xi32>
      %add3A_28 = arith.constant 16 : i32
      %add3A_29 = vector.broadcast %add3A_28 : i32 to vector<16xi32>
      %add3A_30 = arith.addi %iota3A, %add3A_29 : vector<16xi32>
      %mul3A_31 = arith.constant 128 : i32
      %mul3A_32 = vector.broadcast %mul3A_31 : i32 to vector<16xi32>
      %mul3A_33 = arith.muli %add3A_30, %mul3A_32 : vector<16xi32>
      %add3A_34 = vector.broadcast %while3A_19 : i32 to vector<16xi32>
      %add3A_35 = arith.addi %mul3A_33, %add3A_34 : vector<16xi32>
      %gather3A_36 = tpu.vector_load_idx %arg7[%add3A_35] : memref<4112xi32, #tpu.memory_space<vmem>>[vector<16xi32>], vector<16xi32>,
      %add3A_37 = arith.addi %while3A_21, %gather3A_36 : vector<16xi32>
      scf.yield %add3A_27, %add3A_37 : vector<16xi32>, vector<16xi32>
    }
    %while3A_12 = arith.constant 1 : i32
    %while3A_13:2 = scf.for %while3A_19 = %while3A_9 to %while3A_5 step %while3A_12 iter_args(%while3A_20 = %while3A_11#0, %while3A_21 = %while3A_11#1) -> (vector<16xi32>, vector<16xi32>)  : i32 {
      %mul3A_22 = arith.constant 128 : i32
      %mul3A_23 = vector.broadcast %mul3A_22 : i32 to vector<16xi32>
      %mul3A_24 = arith.muli %iota3A, %mul3A_23 : vector<16xi32>
      %add3A_25 = vector.broadcast %while3A_19 : i32 to vector<16xi32>
      %add3A_26 = arith.addi %mul3A_24, %add3A_25 : vector<16xi32>
      %gather3A = tpu.vector_load_idx %arg7[%add3A_26] : memref<4112xi32, #tpu.memory_space<vmem>>[vector<16xi32>], vector<16xi32>,
      %add3A_27 = arith.addi %while3A_20, %gather3A : vector<16xi32>
      %add3A_28 = arith.constant 16 : i32
      %add3A_29 = vector.broadcast %add3A_28 : i32 to vector<16xi32>
      %add3A_30 = arith.addi %iota3A, %add3A_29 : vector<16xi32>
      %mul3A_31 = arith.constant 128 : i32
      %mul3A_32 = vector.broadcast %mul3A_31 : i32 to vector<16xi32>
      %mul3A_33 = arith.muli %add3A_30, %mul3A_32 : vector<16xi32>
      %add3A_34 = vector.broadcast %while3A_19 : i32 to vector<16xi32>
      %add3A_35 = arith.addi %mul3A_33, %add3A_34 : vector<16xi32>
      %gather3A_36 = tpu.vector_load_idx %arg7[%add3A_35] : memref<4112xi32, #tpu.memory_space<vmem>>[vector<16xi32>], vector<16xi32>,
      %add3A_37 = arith.addi %while3A_21, %gather3A_36 : vector<16xi32>
      scf.yield %add3A_27, %add3A_37 : vector<16xi32>, vector<16xi32>
    }
    %scan3A = arith.constant 0 : i32
    %scan3A_14 = arith.constant 4 : i32
    %scan3A_15 = arith.addi %scan3A, %scan3A_14 : i32
    %scan3A_16 = arith.constant 1 : i32
    %scan3A_17:2 = scf.for %scan3A_19 = %scan3A to %scan3A_15 step %scan3A_16 iter_args(%scan3A_20 = %while3A_13#0, %scan3A_21 = %while3A_13#1) -> (vector<16xi32>, vector<16xi32>)  : i32 {
      %mul3A_22 = arith.constant 4 : i32
      %mul3A_23 = arith.muli %add3A, %mul3A_22 : i32
      %add3A_24 = arith.addi %mul3A_23, %scan3A_19 : i32
      %mul3A_25 = arith.constant 65536 : i32
      %mul3A_26 = arith.muli %add3A_24, %mul3A_25 : i32
      %mul3A_27 = arith.constant 128 : i32
      %mul3A_28 = vector.broadcast %mul3A_27 : i32 to vector<16xi32>
      %mul3A_29 = arith.muli %iota3A, %mul3A_28 : vector<16xi32>
      %add3A_30 = vector.broadcast %add3A_24 : i32 to vector<16xi32>
      %add3A_31 = arith.addi %mul3A_29, %add3A_30 : vector<16xi32>
      %gather3A = tpu.vector_load_idx %arg7[%add3A_31] : memref<4112xi32, #tpu.memory_space<vmem>>[vector<16xi32>], vector<16xi32>,
      %add3A_32 = arith.constant 16 : i32
      %add3A_33 = vector.broadcast %add3A_32 : i32 to vector<16xi32>
      %add3A_34 = arith.addi %iota3A, %add3A_33 : vector<16xi32>
      %mul3A_35 = arith.constant 128 : i32
      %mul3A_36 = vector.broadcast %mul3A_35 : i32 to vector<16xi32>
      %mul3A_37 = arith.muli %add3A_34, %mul3A_36 : vector<16xi32>
      %add3A_38 = vector.broadcast %add3A_24 : i32 to vector<16xi32>
      %add3A_39 = arith.addi %mul3A_37, %add3A_38 : vector<16xi32>
      %gather3A_40 = tpu.vector_load_idx %arg7[%add3A_39] : memref<4112xi32, #tpu.memory_space<vmem>>[vector<16xi32>], vector<16xi32>,
      %mul3A_41 = arith.constant 32768 : i32
      %mul3A_42 = vector.broadcast %mul3A_41 : i32 to vector<16xi32>
      %mul3A_43 = arith.muli %iota3A, %mul3A_42 : vector<16xi32>
      %add3A_44 = arith.addi %mul3A_43, %scan3A_20 : vector<16xi32>
      %swap3A = arith.constant 0 : index
      %swap3A_45 = tpu.vector_load %arg10[%swap3A] {strides = array<i32>} : memref<144xi32, #tpu.memory_space<vmem>>, vector<16xi32>,
      tpu.vector_store %arg10[%swap3A], %add3A_44 {strides = array<i32>} : memref<144xi32, #tpu.memory_space<vmem>>, vector<16xi32>,
      %add3A_46 = arith.constant 16 : i32
      %add3A_47 = vector.broadcast %add3A_46 : i32 to vector<16xi32>
      %add3A_48 = arith.addi %iota3A, %add3A_47 : vector<16xi32>
      %mul3A_49 = arith.constant 32768 : i32
      %mul3A_50 = vector.broadcast %mul3A_49 : i32 to vector<16xi32>
      %mul3A_51 = arith.muli %add3A_48, %mul3A_50 : vector<16xi32>
      %add3A_52 = arith.addi %mul3A_51, %scan3A_21 : vector<16xi32>
      %swap3A_53 = arith.constant 16 : index
      %swap3A_54 = tpu.vector_load %arg10[%swap3A_53] {strides = array<i32>} : memref<144xi32, #tpu.memory_space<vmem>>, vector<16xi32>,
      tpu.vector_store %arg10[%swap3A_53], %add3A_52 {strides = array<i32>} : memref<144xi32, #tpu.memory_space<vmem>>, vector<16xi32>,
      %swap3A_55 = arith.constant 32 : index
      %swap3A_56 = tpu.vector_load %arg10[%swap3A_55] {strides = array<i32>} : memref<144xi32, #tpu.memory_space<vmem>>, vector<16xi32>,
      tpu.vector_store %arg10[%swap3A_55], %gather3A {strides = array<i32>} : memref<144xi32, #tpu.memory_space<vmem>>, vector<16xi32>,
      %swap3A_57 = arith.constant 48 : index
      %swap3A_58 = tpu.vector_load %arg10[%swap3A_57] {strides = array<i32>} : memref<144xi32, #tpu.memory_space<vmem>>, vector<16xi32>,
      tpu.vector_store %arg10[%swap3A_57], %gather3A_40 {strides = array<i32>} : memref<144xi32, #tpu.memory_space<vmem>>, vector<16xi32>,
      %scan3A_59 = arith.constant 0 : i32
      %scan3A_60 = arith.constant 0 : i32
      %scan3A_61 = arith.constant 32 : i32
      %scan3A_62 = arith.addi %scan3A_60, %scan3A_61 : i32
      %scan3A_63 = arith.constant 1 : i32
      %scan3A_64 = scf.for %scan3A_89 = %scan3A_60 to %scan3A_62 step %scan3A_63 iter_args(%scan3A_90 = %scan3A_59) -> (i32)  : i32 {
        %get3A = arith.index_cast %scan3A_89 : i32 to index
        %get3A_91 = tpu.vector_load %arg10[%get3A] {strides = array<i32>} : memref<144xi32, #tpu.memory_space<vmem>>, vector<16xi32>,
        %slice3A = vector.extract_strided_slice %get3A_91 {offsets = [0], sizes = [1], strides = [1]} : vector<16xi32> to vector<1xi32>
        %squeeze3A = vector.extract %slice3A[0] : i32 from vector<1xi32>
        %mul3A_92 = arith.constant 2 : i32
        %mul3A_93 = arith.muli %squeeze3A, %mul3A_92 : i32
        %and3A = arith.constant -16 : i32
        %and3A_94 = arith.andi %mul3A_93, %and3A : i32
        %multiple_of3A = tpu.assume_multiple %and3A_94, 8 : i32
        %mul3A_95 = arith.constant 1056 : i32
        %mul3A_96 = arith.muli %scan3A_89, %mul3A_95 : i32
        %dma_start3A = tpu.memref_slice %arg8[%mul3A_96] : memref<33792xi32, #tpu.memory_space<vmem>> -> memref<1056xi32, #tpu.memory_space<vmem>>
        %dma_start3A_97 = tpu.memref_slice %arg3[%multiple_of3A] : memref<2101248xi32, #tpu.memory_space<hbm>> -> memref<1056xi32, #tpu.memory_space<hbm>>
        %dma_start3A_98 = tpu.memref_slice %arg8[%mul3A_96] : memref<33792xi32, #tpu.memory_space<vmem>> -> memref<1056xi32, #tpu.memory_space<vmem>>
        %dma_start3A_99 = tpu.memref_slice %arg3[%multiple_of3A] : memref<2101248xi32, #tpu.memory_space<hbm>> -> memref<1056xi32, #tpu.memory_space<hbm>>
        tpu.enqueue_dma source(%dma_start3A_99 : memref<1056xi32, #tpu.memory_space<hbm>>) target(%dma_start3A_98 : memref<1056xi32, #tpu.memory_space<vmem>>) target_semaphore(%arg11 : memref<!tpu.dma_semaphore, #tpu.memory_space<semaphore_mem>>)
        %scan3A_100 = arith.constant 0 : i32
        scf.yield %scan3A_100 : i32
      }
      %scan3A_65 = arith.constant 32 : i32
      "tpu.region"() ({
        %run_scoped3A = tpu.sem_alloc : memref<!tpu.dma_semaphore, #tpu.memory_space<semaphore_mem>>
        %dma_start3A = tpu.memref_slice %arg2[%mul3A_26] : memref<8388608xf32, #tpu.memory_space<hbm>> -> memref<65536xf32, #tpu.memory_space<hbm>>
        %dma_start3A_89 = tpu.memref_slice %arg2[%mul3A_26] : memref<8388608xf32, #tpu.memory_space<hbm>> -> memref<65536xf32, #tpu.memory_space<hbm>>
        tpu.enqueue_dma source(%dma_start3A_89 : memref<65536xf32, #tpu.memory_space<hbm>>) target(%arg6 : memref<65536xf32, #tpu.memory_space<vmem>>) target_semaphore(%run_scoped3A : memref<!tpu.dma_semaphore, #tpu.memory_space<semaphore_mem>>)
        %dma_wait3A = tpu.memref_slice %arg2[%mul3A_26] : memref<8388608xf32, #tpu.memory_space<hbm>> -> memref<65536xf32, #tpu.memory_space<hbm>>
        %dma_wait3A_90 = tpu.memref_slice %arg2[%mul3A_26] : memref<8388608xf32, #tpu.memory_space<hbm>> -> memref<65536xf32, #tpu.memory_space<hbm>>
        tpu.wait_dma2 semaphore(%run_scoped3A : memref<!tpu.dma_semaphore, #tpu.memory_space<semaphore_mem>>) src(%dma_wait3A_90 : memref<65536xf32, #tpu.memory_space<hbm>>) dst(%arg6 : memref<65536xf32, #tpu.memory_space<vmem>>)
        tpu.yield
      }) : () -> ()
      %scan3A_66 = arith.constant 0 : i32
      %scan3A_67 = arith.constant 0 : i32
      %scan3A_68 = arith.constant 1024 : i32
      %scan3A_69 = arith.addi %scan3A_67, %scan3A_68 : i32
      %scan3A_70 = arith.constant 1 : i32
      %scan3A_71 = scf.for %scan3A_89 = %scan3A_67 to %scan3A_69 step %scan3A_70 iter_args(%scan3A_90 = %scan3A_66) -> (i32)  : i32 {
        %mul3A_91 = arith.constant 64 : i32
        %mul3A_92 = arith.muli %scan3A_89, %mul3A_91 : i32
        %add3A_93 = arith.constant 0 : i32
        %add3A_94 = arith.addi %mul3A_92, %add3A_93 : i32
        %get3A = arith.index_cast %add3A_94 : i32 to index
        %get3A_95 = tpu.vector_load %arg6[%get3A] {strides = array<i32>} : memref<65536xf32, #tpu.memory_space<vmem>>, vector<16xf32>,
        %mul3A_96 = arith.constant 0.949999988 : f32
        %mul3A_97 = vector.broadcast %mul3A_96 : f32 to vector<16xf32>
        %mul3A_98 = arith.mulf %get3A_95, %mul3A_97 : vector<16xf32>
        %swap3A_99 = arith.index_cast %add3A_94 : i32 to index
        %swap3A_100 = tpu.vector_load %arg6[%swap3A_99] {strides = array<i32>} : memref<65536xf32, #tpu.memory_space<vmem>>, vector<16xf32>,
        tpu.vector_store %arg6[%swap3A_99], %mul3A_98 {strides = array<i32>} : memref<65536xf32, #tpu.memory_space<vmem>>, vector<16xf32>,
        %mul3A_101 = arith.constant 64 : i32
        %mul3A_102 = arith.muli %scan3A_89, %mul3A_101 : i32
        %add3A_103 = arith.constant 16 : i32
        %add3A_104 = arith.addi %mul3A_102, %add3A_103 : i32
        %get3A_105 = arith.index_cast %add3A_104 : i32 to index
        %get3A_106 = tpu.vector_load %arg6[%get3A_105] {strides = array<i32>} : memref<65536xf32, #tpu.memory_space<vmem>>, vector<16xf32>,
        %mul3A_107 = arith.constant 0.949999988 : f32
        %mul3A_108 = vector.broadcast %mul3A_107 : f32 to vector<16xf32>
        %mul3A_109 = arith.mulf %get3A_106, %mul3A_108 : vector<16xf32>
        %swap3A_110 = arith.index_cast %add3A_104 : i32 to index
        %swap3A_111 = tpu.vector_load %arg6[%swap3A_110] {strides = array<i32>} : memref<65536xf32, #tpu.memory_space<vmem>>, vector<16xf32>,
        tpu.vector_store %arg6[%swap3A_110], %mul3A_109 {strides = array<i32>} : memref<65536xf32, #tpu.memory_space<vmem>>, vector<16xf32>,
        %mul3A_112 = arith.constant 64 : i32
        %mul3A_113 = arith.muli %scan3A_89, %mul3A_112 : i32
        %add3A_114 = arith.constant 32 : i32
        %add3A_115 = arith.addi %mul3A_113, %add3A_114 : i32
        %get3A_116 = arith.index_cast %add3A_115 : i32 to index
        %get3A_117 = tpu.vector_load %arg6[%get3A_116] {strides = array<i32>} : memref<65536xf32, #tpu.memory_space<vmem>>, vector<16xf32>,
        %mul3A_118 = arith.constant 0.949999988 : f32
        %mul3A_119 = vector.broadcast %mul3A_118 : f32 to vector<16xf32>
        %mul3A_120 = arith.mulf %get3A_117, %mul3A_119 : vector<16xf32>
        %swap3A_121 = arith.index_cast %add3A_115 : i32 to index
        %swap3A_122 = tpu.vector_load %arg6[%swap3A_121] {strides = array<i32>} : memref<65536xf32, #tpu.memory_space<vmem>>, vector<16xf32>,
        tpu.vector_store %arg6[%swap3A_121], %mul3A_120 {strides = array<i32>} : memref<65536xf32, #tpu.memory_space<vmem>>, vector<16xf32>,
        %mul3A_123 = arith.constant 64 : i32
        %mul3A_124 = arith.muli %scan3A_89, %mul3A_123 : i32
        %add3A_125 = arith.constant 48 : i32
        %add3A_126 = arith.addi %mul3A_124, %add3A_125 : i32
        %get3A_127 = arith.index_cast %add3A_126 : i32 to index
        %get3A_128 = tpu.vector_load %arg6[%get3A_127] {strides = array<i32>} : memref<65536xf32, #tpu.memory_space<vmem>>, vector<16xf32>,
        %mul3A_129 = arith.constant 0.949999988 : f32
        %mul3A_130 = vector.broadcast %mul3A_129 : f32 to vector<16xf32>
        %mul3A_131 = arith.mulf %get3A_128, %mul3A_130 : vector<16xf32>
        %swap3A_132 = arith.index_cast %add3A_126 : i32 to index
        %swap3A_133 = tpu.vector_load %arg6[%swap3A_132] {strides = array<i32>} : memref<65536xf32, #tpu.memory_space<vmem>>, vector<16xf32>,
        tpu.vector_store %arg6[%swap3A_132], %mul3A_131 {strides = array<i32>} : memref<65536xf32, #tpu.memory_space<vmem>>, vector<16xf32>,
        %scan3A_134 = arith.constant 0 : i32
        scf.yield %scan3A_134 : i32
      }
      %scan3A_72 = arith.constant 1024 : i32
      %scan3A_73 = arith.constant 0 : i32
      %scan3A_74 = arith.constant 0 : i32
      %scan3A_75 = arith.constant 32 : i32
      %scan3A_76 = arith.addi %scan3A_74, %scan3A_75 : i32
      %scan3A_77 = arith.constant 1 : i32
      %scan3A_78 = scf.for %scan3A_89 = %scan3A_74 to %scan3A_76 step %scan3A_77 iter_args(%scan3A_90 = %scan3A_73) -> (i32)  : i32 {
        %mul3A_91 = arith.constant 1056 : i32
        %mul3A_92 = arith.muli %scan3A_89, %mul3A_91 : i32
        %dma_wait3A = tpu.memref_slice %arg8[%mul3A_92] : memref<33792xi32, #tpu.memory_space<vmem>> -> memref<1056xi32, #tpu.memory_space<vmem>>
        %dma_wait3A_93 = arith.constant 0 : i32
        %dma_wait3A_94 = tpu.memref_slice %arg3[%dma_wait3A_93] : memref<2101248xi32, #tpu.memory_space<hbm>> -> memref<1056xi32, #tpu.memory_space<hbm>>
        %dma_wait3A_95 = tpu.memref_slice %arg8[%mul3A_92] : memref<33792xi32, #tpu.memory_space<vmem>> -> memref<1056xi32, #tpu.memory_space<vmem>>
        %dma_wait3A_96 = arith.constant 0 : i32
        %dma_wait3A_97 = tpu.memref_slice %arg3[%dma_wait3A_96] : memref<2101248xi32, #tpu.memory_space<hbm>> -> memref<1056xi32, #tpu.memory_space<hbm>>
        tpu.wait_dma2 semaphore(%arg11 : memref<!tpu.dma_semaphore, #tpu.memory_space<semaphore_mem>>) src(%dma_wait3A_97 : memref<1056xi32, #tpu.memory_space<hbm>>) dst(%dma_wait3A_95 : memref<1056xi32, #tpu.memory_space<vmem>>)
        %scan3A_98 = arith.constant 0 : i32
        scf.yield %scan3A_98 : i32
      }
      %scan3A_79 = arith.constant 32 : i32
      %scan3A_80 = arith.constant 0 : i32
      %scan3A_81 = arith.constant 0 : i32
      %scan3A_82 = arith.constant 32 : i32
      %scan3A_83 = arith.addi %scan3A_81, %scan3A_82 : i32
      %scan3A_84 = arith.constant 1 : i32
      %scan3A_85 = scf.for %scan3A_89 = %scan3A_81 to %scan3A_83 step %scan3A_84 iter_args(%scan3A_90 = %scan3A_80) -> (i32)  : i32 {
        %get3A = arith.index_cast %scan3A_89 : i32 to index
        %get3A_91 = tpu.vector_load %arg10[%get3A] {strides = array<i32>} : memref<144xi32, #tpu.memory_space<vmem>>, vector<16xi32>,
        %slice3A = vector.extract_strided_slice %get3A_91 {offsets = [0], sizes = [1], strides = [1]} : vector<16xi32> to vector<1xi32>
        %squeeze3A = vector.extract %slice3A[0] : i32 from vector<1xi32>
        %add3A_92 = arith.constant 32 : i32
        %add3A_93 = arith.addi %add3A_92, %scan3A_89 : i32
        %get3A_94 = arith.index_cast %add3A_93 : i32 to index
        %get3A_95 = tpu.vector_load %arg10[%get3A_94] {strides = array<i32>} : memref<144xi32, #tpu.memory_space<vmem>>, vector<16xi32>,
        %slice3A_96 = vector.extract_strided_slice %get3A_95 {offsets = [0], sizes = [1], strides = [1]} : vector<16xi32> to vector<1xi32>
        %squeeze3A_97 = vector.extract %slice3A_96[0] : i32 from vector<1xi32>
        %and3A = arith.constant 7 : i32
        %and3A_98 = arith.andi %squeeze3A, %and3A : i32
        %mul3A_99 = arith.constant 1056 : i32
        %mul3A_100 = arith.muli %scan3A_89, %mul3A_99 : i32
        %min3A = arith.constant 512 : i32
        %min3A_101 = arith.minsi %squeeze3A_97, %min3A : i32
        %add3A_102 = arith.addi %and3A_98, %min3A_101 : i32
        %add3A_103 = arith.constant 16 : i32
        %add3A_104 = arith.addi %add3A_102, %add3A_103 : i32
        %sub3A = arith.constant 1 : i32
        %sub3A_105 = arith.subi %add3A_104, %sub3A : i32
        %shift_right_logical3A = arith.constant 4 : i32
        %shift_right_logical3A_106 = arith.shrui %sub3A_105, %shift_right_logical3A : i32
        %while3A_107 = arith.constant 0 : i32
        %while3A_108 = arith.constant 0 : i32
        %while3A_109 = arith.subi %shift_right_logical3A_106, %while3A_107 : i32
        %while3A_110 = arith.addi %while3A_107, %while3A_109 : i32
        %while3A_111 = arith.constant 1 : i32
        %while3A_112 = arith.divsi %while3A_109, %while3A_111 : i32
        %while3A_113 = arith.muli %while3A_112, %while3A_111 : i32
        %while3A_114 = arith.addi %while3A_107, %while3A_113 : i32
        %while3A_115 = arith.constant 1 : i32
        %while3A_116 = scf.for %while3A_138 = %while3A_107 to %while3A_114 step %while3A_115 iter_args(%while3A_139 = %while3A_108) -> (i32)  : i32 {
          %mul3A_140 = arith.constant 16 : i32
          %mul3A_141 = arith.muli %while3A_138, %mul3A_140 : i32
          %add3A_142 = vector.broadcast %mul3A_141 : i32 to vector<16xi32>
          %add3A_143 = arith.addi %add3A_142, %iota3A : vector<16xi32>
          %mul3A_144 = arith.constant 2 : i32
          %mul3A_145 = vector.broadcast %mul3A_144 : i32 to vector<16xi32>
          %mul3A_146 = arith.muli %add3A_143, %mul3A_145 : vector<16xi32>
          %add3A_147 = vector.broadcast %mul3A_100 : i32 to vector<16xi32>
          %add3A_148 = arith.addi %add3A_147, %mul3A_146 : vector<16xi32>
          %gather3A_149 = tpu.vector_load_idx %arg8[%add3A_148] : memref<33792xi32, #tpu.memory_space<vmem>>[vector<16xi32>], vector<16xi32>,
          %mul3A_150 = arith.constant 2 : i32
          %mul3A_151 = vector.broadcast %mul3A_150 : i32 to vector<16xi32>
          %mul3A_152 = arith.muli %add3A_143, %mul3A_151 : vector<16xi32>
          %add3A_153 = vector.broadcast %mul3A_100 : i32 to vector<16xi32>
          %add3A_154 = arith.addi %add3A_153, %mul3A_152 : vector<16xi32>
          %add3A_155 = arith.constant 1 : i32
          %add3A_156 = vector.broadcast %add3A_155 : i32 to vector<16xi32>
          %add3A_157 = arith.addi %add3A_154, %add3A_156 : vector<16xi32>
          %gather3A_158 = tpu.vector_load_idx %arg8[%add3A_157] : memref<33792xi32, #tpu.memory_space<vmem>>[vector<16xi32>], vector<16xi32>,
          %bitcast3A = vector.bitcast %gather3A_158 : vector<16xi32> to vector<16xf32>
          %ge3A = vector.broadcast %and3A_98 : i32 to vector<16xi32>
          %ge3A_159 = arith.cmpi sge, %add3A_143, %ge3A : vector<16xi32>
          %add3A_160 = arith.constant 512 : i32
          %add3A_161 = arith.addi %and3A_98, %add3A_160 : i32
          %lt3A = vector.broadcast %add3A_161 : i32 to vector<16xi32>
          %lt3A_162 = arith.cmpi slt, %add3A_143, %lt3A : vector<16xi32>
          %and3A_163 = arith.andi %ge3A_159, %lt3A_162 : vector<16xi1>
          %sub3A_164 = vector.broadcast %and3A_98 : i32 to vector<16xi32>
          %sub3A_165 = arith.subi %add3A_143, %sub3A_164 : vector<16xi32>
          %lt3A_166 = vector.broadcast %squeeze3A_97 : i32 to vector<16xi32>
          %lt3A_167 = arith.cmpi slt, %sub3A_165, %lt3A_166 : vector<16xi32>
          %and3A_168 = arith.andi %and3A_163, %lt3A_167 : vector<16xi1>
          %and3A_169 = arith.constant 65535 : i32
          %and3A_170 = vector.broadcast %and3A_169 : i32 to vector<16xi32>
          %and3A_171 = arith.andi %gather3A_149, %and3A_170 : vector<16xi32>
          %while3A_172 = scf.while (%while3A_174 = %and3A_168) : (vector<16xi1>) -> vector<16xi1> {
            %all_reduce_population_count3A = tpu.all_reduce %while3A_174 {dim = 0 : i64, kind = #tpu.reduction_kind<sum>} : vector<16xi1> -> vector<16xi32>
            %slice3A_175 = vector.extract_strided_slice %all_reduce_population_count3A {offsets = [0], sizes = [1], strides = [1]} : vector<16xi32> to vector<1xi32>
            %squeeze3A_176 = vector.extract %slice3A_175[0] : i32 from vector<1xi32>
            %ne3A = arith.constant 0 : i32
            %ne3A_177 = arith.cmpi ne, %squeeze3A_176, %ne3A : i32
            scf.condition(%ne3A_177) %while3A_174 : vector<16xi1>
          } do {
          ^bb0(%while3A_174: vector<16xi1>):
            %gather3A_175 = tpu.vector_load_idx %arg6[%and3A_171] masked %while3A_174 : memref<65536xf32, #tpu.memory_space<vmem>>[vector<16xi32>], vector<16xf32>, vector<16xi1>
            %max3A = arith.maximumf %gather3A_175, %bitcast3A : vector<16xf32>
            tpu.vector_store_idx %arg6[%and3A_171], %max3A masked %while3A_174 : memref<65536xf32, #tpu.memory_space<vmem>>[vector<16xi32>], vector<16xf32>, vector<16xi1>
            %gather3A_176 = tpu.vector_load_idx %arg6[%and3A_171] masked %while3A_174 : memref<65536xf32, #tpu.memory_space<vmem>>[vector<16xi32>], vector<16xf32>, vector<16xi1>
            %lt3A_177 = arith.cmpf olt, %gather3A_176, %bitcast3A : vector<16xf32>
            %and3A_178 = arith.andi %while3A_174, %lt3A_177 : vector<16xi1>
            scf.yield %and3A_178 : vector<16xi1>
          }
          %while3A_173 = arith.constant 0 : i32
          scf.yield %while3A_173 : i32
        }
        %while3A_117 = arith.constant 1 : i32
        %while3A_118 = scf.for %while3A_138 = %while3A_114 to %while3A_110 step %while3A_117 iter_args(%while3A_139 = %while3A_116) -> (i32)  : i32 {
          %mul3A_140 = arith.constant 16 : i32
          %mul3A_141 = arith.muli %while3A_138, %mul3A_140 : i32
          %add3A_142 = vector.broadcast %mul3A_141 : i32 to vector<16xi32>
          %add3A_143 = arith.addi %add3A_142, %iota3A : vector<16xi32>
          %mul3A_144 = arith.constant 2 : i32
          %mul3A_145 = vector.broadcast %mul3A_144 : i32 to vector<16xi32>
          %mul3A_146 = arith.muli %add3A_143, %mul3A_145 : vector<16xi32>
          %add3A_147 = vector.broadcast %mul3A_100 : i32 to vector<16xi32>
          %add3A_148 = arith.addi %add3A_147, %mul3A_146 : vector<16xi32>
          %gather3A_149 = tpu.vector_load_idx %arg8[%add3A_148] : memref<33792xi32, #tpu.memory_space<vmem>>[vector<16xi32>], vector<16xi32>,
          %mul3A_150 = arith.constant 2 : i32
          %mul3A_151 = vector.broadcast %mul3A_150 : i32 to vector<16xi32>
          %mul3A_152 = arith.muli %add3A_143, %mul3A_151 : vector<16xi32>
          %add3A_153 = vector.broadcast %mul3A_100 : i32 to vector<16xi32>
          %add3A_154 = arith.addi %add3A_153, %mul3A_152 : vector<16xi32>
          %add3A_155 = arith.constant 1 : i32
          %add3A_156 = vector.broadcast %add3A_155 : i32 to vector<16xi32>
          %add3A_157 = arith.addi %add3A_154, %add3A_156 : vector<16xi32>
          %gather3A_158 = tpu.vector_load_idx %arg8[%add3A_157] : memref<33792xi32, #tpu.memory_space<vmem>>[vector<16xi32>], vector<16xi32>,
          %bitcast3A = vector.bitcast %gather3A_158 : vector<16xi32> to vector<16xf32>
          %ge3A = vector.broadcast %and3A_98 : i32 to vector<16xi32>
          %ge3A_159 = arith.cmpi sge, %add3A_143, %ge3A : vector<16xi32>
          %add3A_160 = arith.constant 512 : i32
          %add3A_161 = arith.addi %and3A_98, %add3A_160 : i32
          %lt3A = vector.broadcast %add3A_161 : i32 to vector<16xi32>
          %lt3A_162 = arith.cmpi slt, %add3A_143, %lt3A : vector<16xi32>
          %and3A_163 = arith.andi %ge3A_159, %lt3A_162 : vector<16xi1>
          %sub3A_164 = vector.broadcast %and3A_98 : i32 to vector<16xi32>
          %sub3A_165 = arith.subi %add3A_143, %sub3A_164 : vector<16xi32>
          %lt3A_166 = vector.broadcast %squeeze3A_97 : i32 to vector<16xi32>
          %lt3A_167 = arith.cmpi slt, %sub3A_165, %lt3A_166 : vector<16xi32>
          %and3A_168 = arith.andi %and3A_163, %lt3A_167 : vector<16xi1>
          %and3A_169 = arith.constant 65535 : i32
          %and3A_170 = vector.broadcast %and3A_169 : i32 to vector<16xi32>
          %and3A_171 = arith.andi %gather3A_149, %and3A_170 : vector<16xi32>
          %while3A_172 = scf.while (%while3A_174 = %and3A_168) : (vector<16xi1>) -> vector<16xi1> {
            %all_reduce_population_count3A = tpu.all_reduce %while3A_174 {dim = 0 : i64, kind = #tpu.reduction_kind<sum>} : vector<16xi1> -> vector<16xi32>
            %slice3A_175 = vector.extract_strided_slice %all_reduce_population_count3A {offsets = [0], sizes = [1], strides = [1]} : vector<16xi32> to vector<1xi32>
            %squeeze3A_176 = vector.extract %slice3A_175[0] : i32 from vector<1xi32>
            %ne3A = arith.constant 0 : i32
            %ne3A_177 = arith.cmpi ne, %squeeze3A_176, %ne3A : i32
            scf.condition(%ne3A_177) %while3A_174 : vector<16xi1>
          } do {
          ^bb0(%while3A_174: vector<16xi1>):
            %gather3A_175 = tpu.vector_load_idx %arg6[%and3A_171] masked %while3A_174 : memref<65536xf32, #tpu.memory_space<vmem>>[vector<16xi32>], vector<16xf32>, vector<16xi1>
            %max3A = arith.maximumf %gather3A_175, %bitcast3A : vector<16xf32>
            tpu.vector_store_idx %arg6[%and3A_171], %max3A masked %while3A_174 : memref<65536xf32, #tpu.memory_space<vmem>>[vector<16xi32>], vector<16xf32>, vector<16xi1>
            %gather3A_176 = tpu.vector_load_idx %arg6[%and3A_171] masked %while3A_174 : memref<65536xf32, #tpu.memory_space<vmem>>[vector<16xi32>], vector<16xf32>, vector<16xi1>
            %lt3A_177 = arith.cmpf olt, %gather3A_176, %bitcast3A : vector<16xf32>
            %and3A_178 = arith.andi %while3A_174, %lt3A_177 : vector<16xi1>
            scf.yield %and3A_178 : vector<16xi1>
          }
          %while3A_173 = arith.constant 0 : i32
          scf.yield %while3A_173 : i32
        }
        %add3A_119 = arith.constant 512 : i32
        %add3A_120 = arith.addi %squeeze3A_97, %add3A_119 : i32
        %sub3A_121 = arith.constant 1 : i32
        %sub3A_122 = arith.subi %add3A_120, %sub3A_121 : i32
        %shift_right_logical3A_123 = arith.constant 9 : i32
        %shift_right_logical3A_124 = arith.shrui %sub3A_122, %shift_right_logical3A_123 : i32
        %while3A_125 = arith.constant 1 : i32
        %while3A_126 = arith.constant 0 : i32
        %while3A_127 = arith.subi %shift_right_logical3A_124, %while3A_125 : i32
        %while3A_128 = arith.addi %while3A_125, %while3A_127 : i32
        %while3A_129 = arith.constant 1 : i32
        %while3A_130 = arith.divsi %while3A_127, %while3A_129 : i32
        %while3A_131 = arith.muli %while3A_130, %while3A_129 : i32
        %while3A_132 = arith.addi %while3A_125, %while3A_131 : i32
        %while3A_133 = arith.constant 1 : i32
        %while3A_134 = scf.for %while3A_138 = %while3A_125 to %while3A_132 step %while3A_133 iter_args(%while3A_139 = %while3A_126) -> (i32)  : i32 {
          %mul3A_140 = arith.constant 512 : i32
          %mul3A_141 = arith.muli %while3A_138, %mul3A_140 : i32
          %add3A_142 = arith.addi %squeeze3A, %mul3A_141 : i32
          %mul3A_143 = arith.constant 2 : i32
          %mul3A_144 = arith.muli %add3A_142, %mul3A_143 : i32
          %and3A_145 = arith.constant -16 : i32
          %and3A_146 = arith.andi %mul3A_144, %and3A_145 : i32
          %multiple_of3A = tpu.assume_multiple %and3A_146, 8 : i32
          %and3A_147 = arith.constant 7 : i32
          %and3A_148 = arith.andi %add3A_142, %and3A_147 : i32
          "tpu.region"() ({
            %run_scoped3A = tpu.sem_alloc : memref<!tpu.dma_semaphore, #tpu.memory_space<semaphore_mem>>
            %dma_start3A = tpu.memref_slice %arg3[%multiple_of3A] : memref<2101248xi32, #tpu.memory_space<hbm>> -> memref<1056xi32, #tpu.memory_space<hbm>>
            %dma_start3A_174 = tpu.memref_slice %arg3[%multiple_of3A] : memref<2101248xi32, #tpu.memory_space<hbm>> -> memref<1056xi32, #tpu.memory_space<hbm>>
            tpu.enqueue_dma source(%dma_start3A_174 : memref<1056xi32, #tpu.memory_space<hbm>>) target(%arg9 : memref<1056xi32, #tpu.memory_space<vmem>>) target_semaphore(%run_scoped3A : memref<!tpu.dma_semaphore, #tpu.memory_space<semaphore_mem>>)
            %dma_wait3A = tpu.memref_slice %arg3[%multiple_of3A] : memref<2101248xi32, #tpu.memory_space<hbm>> -> memref<1056xi32, #tpu.memory_space<hbm>>
            %dma_wait3A_175 = tpu.memref_slice %arg3[%multiple_of3A] : memref<2101248xi32, #tpu.memory_space<hbm>> -> memref<1056xi32, #tpu.memory_space<hbm>>
            tpu.wait_dma2 semaphore(%run_scoped3A : memref<!tpu.dma_semaphore, #tpu.memory_space<semaphore_mem>>) src(%dma_wait3A_175 : memref<1056xi32, #tpu.memory_space<hbm>>) dst(%arg9 : memref<1056xi32, #tpu.memory_space<vmem>>)
            tpu.yield
          }) : () -> ()
          %mul3A_149 = arith.constant 512 : i32
          %mul3A_150 = arith.muli %while3A_138, %mul3A_149 : i32
          %sub3A_151 = arith.subi %squeeze3A_97, %mul3A_150 : i32
          %min3A_152 = arith.constant 512 : i32
          %min3A_153 = arith.minsi %sub3A_151, %min3A_152 : i32
          %add3A_154 = arith.addi %and3A_148, %min3A_153 : i32
          %add3A_155 = arith.constant 16 : i32
          %add3A_156 = arith.addi %add3A_154, %add3A_155 : i32
          %sub3A_157 = arith.constant 1 : i32
          %sub3A_158 = arith.subi %add3A_156, %sub3A_157 : i32
          %shift_right_logical3A_159 = arith.constant 4 : i32
          %shift_right_logical3A_160 = arith.shrui %sub3A_158, %shift_right_logical3A_159 : i32
          %while3A_161 = arith.constant 0 : i32
          %while3A_162 = arith.constant 0 : i32
          %while3A_163 = arith.subi %shift_right_logical3A_160, %while3A_161 : i32
          %while3A_164 = arith.addi %while3A_161, %while3A_163 : i32
          %while3A_165 = arith.constant 1 : i32
          %while3A_166 = arith.divsi %while3A_163, %while3A_165 : i32
          %while3A_167 = arith.muli %while3A_166, %while3A_165 : i32
          %while3A_168 = arith.addi %while3A_161, %while3A_167 : i32
          %while3A_169 = arith.constant 1 : i32
          %while3A_170 = scf.for %while3A_174 = %while3A_161 to %while3A_168 step %while3A_169 iter_args(%while3A_175 = %while3A_162) -> (i32)  : i32 {
            %mul3A_176 = arith.constant 16 : i32
            %mul3A_177 = arith.muli %while3A_174, %mul3A_176 : i32
            %add3A_178 = vector.broadcast %mul3A_177 : i32 to vector<16xi32>
            %add3A_179 = arith.addi %add3A_178, %iota3A : vector<16xi32>
            %mul3A_180 = arith.constant 2 : i32
            %mul3A_181 = vector.broadcast %mul3A_180 : i32 to vector<16xi32>
            %mul3A_182 = arith.muli %add3A_179, %mul3A_181 : vector<16xi32>
            %gather3A_183 = tpu.vector_load_idx %arg9[%mul3A_182] : memref<1056xi32, #tpu.memory_space<vmem>>[vector<16xi32>], vector<16xi32>,
            %mul3A_184 = arith.constant 2 : i32
            %mul3A_185 = vector.broadcast %mul3A_184 : i32 to vector<16xi32>
            %mul3A_186 = arith.muli %add3A_179, %mul3A_185 : vector<16xi32>
            %add3A_187 = arith.constant 1 : i32
            %add3A_188 = vector.broadcast %add3A_187 : i32 to vector<16xi32>
            %add3A_189 = arith.addi %mul3A_186, %add3A_188 : vector<16xi32>
            %gather3A_190 = tpu.vector_load_idx %arg9[%add3A_189] : memref<1056xi32, #tpu.memory_space<vmem>>[vector<16xi32>], vector<16xi32>,
            %bitcast3A = vector.bitcast %gather3A_190 : vector<16xi32> to vector<16xf32>
            %sub3A_191 = vector.broadcast %and3A_148 : i32 to vector<16xi32>
            %sub3A_192 = arith.subi %add3A_179, %sub3A_191 : vector<16xi32>
            %mul3A_193 = arith.constant 512 : i32
            %mul3A_194 = arith.muli %while3A_138, %mul3A_193 : i32
            %add3A_195 = vector.broadcast %mul3A_194 : i32 to vector<16xi32>
            %add3A_196 = arith.addi %sub3A_192, %add3A_195 : vector<16xi32>
            %ge3A = vector.broadcast %and3A_148 : i32 to vector<16xi32>
            %ge3A_197 = arith.cmpi sge, %add3A_179, %ge3A : vector<16xi32>
            %add3A_198 = arith.constant 512 : i32
            %add3A_199 = arith.addi %and3A_148, %add3A_198 : i32
            %lt3A = vector.broadcast %add3A_199 : i32 to vector<16xi32>
            %lt3A_200 = arith.cmpi slt, %add3A_179, %lt3A : vector<16xi32>
            %and3A_201 = arith.andi %ge3A_197, %lt3A_200 : vector<16xi1>
            %lt3A_202 = vector.broadcast %squeeze3A_97 : i32 to vector<16xi32>
            %lt3A_203 = arith.cmpi slt, %add3A_196, %lt3A_202 : vector<16xi32>
            %and3A_204 = arith.andi %and3A_201, %lt3A_203 : vector<16xi1>
            %and3A_205 = arith.constant 65535 : i32
            %and3A_206 = vector.broadcast %and3A_205 : i32 to vector<16xi32>
            %and3A_207 = arith.andi %gather3A_183, %and3A_206 : vector<16xi32>
            %while3A_208 = scf.while (%while3A_210 = %and3A_204) : (vector<16xi1>) -> vector<16xi1> {
              %all_reduce_population_count3A = tpu.all_reduce %while3A_210 {dim = 0 : i64, kind = #tpu.reduction_kind<sum>} : vector<16xi1> -> vector<16xi32>
              %slice3A_211 = vector.extract_strided_slice %all_reduce_population_count3A {offsets = [0], sizes = [1], strides = [1]} : vector<16xi32> to vector<1xi32>
              %squeeze3A_212 = vector.extract %slice3A_211[0] : i32 from vector<1xi32>
              %ne3A = arith.constant 0 : i32
              %ne3A_213 = arith.cmpi ne, %squeeze3A_212, %ne3A : i32
              scf.condition(%ne3A_213) %while3A_210 : vector<16xi1>
            } do {
            ^bb0(%while3A_210: vector<16xi1>):
              %gather3A_211 = tpu.vector_load_idx %arg6[%and3A_207] masked %while3A_210 : memref<65536xf32, #tpu.memory_space<vmem>>[vector<16xi32>], vector<16xf32>, vector<16xi1>
              %max3A = arith.maximumf %gather3A_211, %bitcast3A : vector<16xf32>
              tpu.vector_store_idx %arg6[%and3A_207], %max3A masked %while3A_210 : memref<65536xf32, #tpu.memory_space<vmem>>[vector<16xi32>], vector<16xf32>, vector<16xi1>
              %gather3A_212 = tpu.vector_load_idx %arg6[%and3A_207] masked %while3A_210 : memref<65536xf32, #tpu.memory_space<vmem>>[vector<16xi32>], vector<16xf32>, vector<16xi1>
              %lt3A_213 = arith.cmpf olt, %gather3A_212, %bitcast3A : vector<16xf32>
              %and3A_214 = arith.andi %while3A_210, %lt3A_213 : vector<16xi1>
              scf.yield %and3A_214 : vector<16xi1>
            }
            %while3A_209 = arith.constant 0 : i32
            scf.yield %while3A_209 : i32
          }
          %while3A_171 = arith.constant 1 : i32
          %while3A_172 = scf.for %while3A_174 = %while3A_168 to %while3A_164 step %while3A_171 iter_args(%while3A_175 = %while3A_170) -> (i32)  : i32 {
            %mul3A_176 = arith.constant 16 : i32
            %mul3A_177 = arith.muli %while3A_174, %mul3A_176 : i32
            %add3A_178 = vector.broadcast %mul3A_177 : i32 to vector<16xi32>
            %add3A_179 = arith.addi %add3A_178, %iota3A : vector<16xi32>
            %mul3A_180 = arith.constant 2 : i32
            %mul3A_181 = vector.broadcast %mul3A_180 : i32 to vector<16xi32>
            %mul3A_182 = arith.muli %add3A_179, %mul3A_181 : vector<16xi32>
            %gather3A_183 = tpu.vector_load_idx %arg9[%mul3A_182] : memref<1056xi32, #tpu.memory_space<vmem>>[vector<16xi32>], vector<16xi32>,
            %mul3A_184 = arith.constant 2 : i32
            %mul3A_185 = vector.broadcast %mul3A_184 : i32 to vector<16xi32>
            %mul3A_186 = arith.muli %add3A_179, %mul3A_185 : vector<16xi32>
            %add3A_187 = arith.constant 1 : i32
            %add3A_188 = vector.broadcast %add3A_187 : i32 to vector<16xi32>
            %add3A_189 = arith.addi %mul3A_186, %add3A_188 : vector<16xi32>
            %gather3A_190 = tpu.vector_load_idx %arg9[%add3A_189] : memref<1056xi32, #tpu.memory_space<vmem>>[vector<16xi32>], vector<16xi32>,
            %bitcast3A = vector.bitcast %gather3A_190 : vector<16xi32> to vector<16xf32>
            %sub3A_191 = vector.broadcast %and3A_148 : i32 to vector<16xi32>
            %sub3A_192 = arith.subi %add3A_179, %sub3A_191 : vector<16xi32>
            %mul3A_193 = arith.constant 512 : i32
            %mul3A_194 = arith.muli %while3A_138, %mul3A_193 : i32
            %add3A_195 = vector.broadcast %mul3A_194 : i32 to vector<16xi32>
            %add3A_196 = arith.addi %sub3A_192, %add3A_195 : vector<16xi32>
            %ge3A = vector.broadcast %and3A_148 : i32 to vector<16xi32>
            %ge3A_197 = arith.cmpi sge, %add3A_179, %ge3A : vector<16xi32>
            %add3A_198 = arith.constant 512 : i32
            %add3A_199 = arith.addi %and3A_148, %add3A_198 : i32
            %lt3A = vector.broadcast %add3A_199 : i32 to vector<16xi32>
            %lt3A_200 = arith.cmpi slt, %add3A_179, %lt3A : vector<16xi32>
            %and3A_201 = arith.andi %ge3A_197, %lt3A_200 : vector<16xi1>
            %lt3A_202 = vector.broadcast %squeeze3A_97 : i32 to vector<16xi32>
            %lt3A_203 = arith.cmpi slt, %add3A_196, %lt3A_202 : vector<16xi32>
            %and3A_204 = arith.andi %and3A_201, %lt3A_203 : vector<16xi1>
            %and3A_205 = arith.constant 65535 : i32
            %and3A_206 = vector.broadcast %and3A_205 : i32 to vector<16xi32>
            %and3A_207 = arith.andi %gather3A_183, %and3A_206 : vector<16xi32>
            %while3A_208 = scf.while (%while3A_210 = %and3A_204) : (vector<16xi1>) -> vector<16xi1> {
              %all_reduce_population_count3A = tpu.all_reduce %while3A_210 {dim = 0 : i64, kind = #tpu.reduction_kind<sum>} : vector<16xi1> -> vector<16xi32>
              %slice3A_211 = vector.extract_strided_slice %all_reduce_population_count3A {offsets = [0], sizes = [1], strides = [1]} : vector<16xi32> to vector<1xi32>
              %squeeze3A_212 = vector.extract %slice3A_211[0] : i32 from vector<1xi32>
              %ne3A = arith.constant 0 : i32
              %ne3A_213 = arith.cmpi ne, %squeeze3A_212, %ne3A : i32
              scf.condition(%ne3A_213) %while3A_210 : vector<16xi1>
            } do {
            ^bb0(%while3A_210: vector<16xi1>):
              %gather3A_211 = tpu.vector_load_idx %arg6[%and3A_207] masked %while3A_210 : memref<65536xf32, #tpu.memory_space<vmem>>[vector<16xi32>], vector<16xf32>, vector<16xi1>
              %max3A = arith.maximumf %gather3A_211, %bitcast3A : vector<16xf32>
              tpu.vector_store_idx %arg6[%and3A_207], %max3A masked %while3A_210 : memref<65536xf32, #tpu.memory_space<vmem>>[vector<16xi32>], vector<16xf32>, vector<16xi1>
              %gather3A_212 = tpu.vector_load_idx %arg6[%and3A_207] masked %while3A_210 : memref<65536xf32, #tpu.memory_space<vmem>>[vector<16xi32>], vector<16xf32>, vector<16xi1>
              %lt3A_213 = arith.cmpf olt, %gather3A_212, %bitcast3A : vector<16xf32>
              %and3A_214 = arith.andi %while3A_210, %lt3A_213 : vector<16xi1>
              scf.yield %and3A_214 : vector<16xi1>
            }
            %while3A_209 = arith.constant 0 : i32
            scf.yield %while3A_209 : i32
          }
          %while3A_173 = arith.constant 0 : i32
          scf.yield %while3A_173 : i32
        }
        %while3A_135 = arith.constant 1 : i32
        %while3A_136 = scf.for %while3A_138 = %while3A_132 to %while3A_128 step %while3A_135 iter_args(%while3A_139 = %while3A_134) -> (i32)  : i32 {
          %mul3A_140 = arith.constant 512 : i32
          %mul3A_141 = arith.muli %while3A_138, %mul3A_140 : i32
          %add3A_142 = arith.addi %squeeze3A, %mul3A_141 : i32
          %mul3A_143 = arith.constant 2 : i32
          %mul3A_144 = arith.muli %add3A_142, %mul3A_143 : i32
          %and3A_145 = arith.constant -16 : i32
          %and3A_146 = arith.andi %mul3A_144, %and3A_145 : i32
          %multiple_of3A = tpu.assume_multiple %and3A_146, 8 : i32
          %and3A_147 = arith.constant 7 : i32
          %and3A_148 = arith.andi %add3A_142, %and3A_147 : i32
          "tpu.region"() ({
            %run_scoped3A = tpu.sem_alloc : memref<!tpu.dma_semaphore, #tpu.memory_space<semaphore_mem>>
            %dma_start3A = tpu.memref_slice %arg3[%multiple_of3A] : memref<2101248xi32, #tpu.memory_space<hbm>> -> memref<1056xi32, #tpu.memory_space<hbm>>
            %dma_start3A_174 = tpu.memref_slice %arg3[%multiple_of3A] : memref<2101248xi32, #tpu.memory_space<hbm>> -> memref<1056xi32, #tpu.memory_space<hbm>>
            tpu.enqueue_dma source(%dma_start3A_174 : memref<1056xi32, #tpu.memory_space<hbm>>) target(%arg9 : memref<1056xi32, #tpu.memory_space<vmem>>) target_semaphore(%run_scoped3A : memref<!tpu.dma_semaphore, #tpu.memory_space<semaphore_mem>>)
            %dma_wait3A = tpu.memref_slice %arg3[%multiple_of3A] : memref<2101248xi32, #tpu.memory_space<hbm>> -> memref<1056xi32, #tpu.memory_space<hbm>>
            %dma_wait3A_175 = tpu.memref_slice %arg3[%multiple_of3A] : memref<2101248xi32, #tpu.memory_space<hbm>> -> memref<1056xi32, #tpu.memory_space<hbm>>
            tpu.wait_dma2 semaphore(%run_scoped3A : memref<!tpu.dma_semaphore, #tpu.memory_space<semaphore_mem>>) src(%dma_wait3A_175 : memref<1056xi32, #tpu.memory_space<hbm>>) dst(%arg9 : memref<1056xi32, #tpu.memory_space<vmem>>)
            tpu.yield
          }) : () -> ()
          %mul3A_149 = arith.constant 512 : i32
          %mul3A_150 = arith.muli %while3A_138, %mul3A_149 : i32
          %sub3A_151 = arith.subi %squeeze3A_97, %mul3A_150 : i32
          %min3A_152 = arith.constant 512 : i32
          %min3A_153 = arith.minsi %sub3A_151, %min3A_152 : i32
          %add3A_154 = arith.addi %and3A_148, %min3A_153 : i32
          %add3A_155 = arith.constant 16 : i32
          %add3A_156 = arith.addi %add3A_154, %add3A_155 : i32
          %sub3A_157 = arith.constant 1 : i32
          %sub3A_158 = arith.subi %add3A_156, %sub3A_157 : i32
          %shift_right_logical3A_159 = arith.constant 4 : i32
          %shift_right_logical3A_160 = arith.shrui %sub3A_158, %shift_right_logical3A_159 : i32
          %while3A_161 = arith.constant 0 : i32
          %while3A_162 = arith.constant 0 : i32
          %while3A_163 = arith.subi %shift_right_logical3A_160, %while3A_161 : i32
          %while3A_164 = arith.addi %while3A_161, %while3A_163 : i32
          %while3A_165 = arith.constant 1 : i32
          %while3A_166 = arith.divsi %while3A_163, %while3A_165 : i32
          %while3A_167 = arith.muli %while3A_166, %while3A_165 : i32
          %while3A_168 = arith.addi %while3A_161, %while3A_167 : i32
          %while3A_169 = arith.constant 1 : i32
          %while3A_170 = scf.for %while3A_174 = %while3A_161 to %while3A_168 step %while3A_169 iter_args(%while3A_175 = %while3A_162) -> (i32)  : i32 {
            %mul3A_176 = arith.constant 16 : i32
            %mul3A_177 = arith.muli %while3A_174, %mul3A_176 : i32
            %add3A_178 = vector.broadcast %mul3A_177 : i32 to vector<16xi32>
            %add3A_179 = arith.addi %add3A_178, %iota3A : vector<16xi32>
            %mul3A_180 = arith.constant 2 : i32
            %mul3A_181 = vector.broadcast %mul3A_180 : i32 to vector<16xi32>
            %mul3A_182 = arith.muli %add3A_179, %mul3A_181 : vector<16xi32>
            %gather3A_183 = tpu.vector_load_idx %arg9[%mul3A_182] : memref<1056xi32, #tpu.memory_space<vmem>>[vector<16xi32>], vector<16xi32>,
            %mul3A_184 = arith.constant 2 : i32
            %mul3A_185 = vector.broadcast %mul3A_184 : i32 to vector<16xi32>
            %mul3A_186 = arith.muli %add3A_179, %mul3A_185 : vector<16xi32>
            %add3A_187 = arith.constant 1 : i32
            %add3A_188 = vector.broadcast %add3A_187 : i32 to vector<16xi32>
            %add3A_189 = arith.addi %mul3A_186, %add3A_188 : vector<16xi32>
            %gather3A_190 = tpu.vector_load_idx %arg9[%add3A_189] : memref<1056xi32, #tpu.memory_space<vmem>>[vector<16xi32>], vector<16xi32>,
            %bitcast3A = vector.bitcast %gather3A_190 : vector<16xi32> to vector<16xf32>
            %sub3A_191 = vector.broadcast %and3A_148 : i32 to vector<16xi32>
            %sub3A_192 = arith.subi %add3A_179, %sub3A_191 : vector<16xi32>
            %mul3A_193 = arith.constant 512 : i32
            %mul3A_194 = arith.muli %while3A_138, %mul3A_193 : i32
            %add3A_195 = vector.broadcast %mul3A_194 : i32 to vector<16xi32>
            %add3A_196 = arith.addi %sub3A_192, %add3A_195 : vector<16xi32>
            %ge3A = vector.broadcast %and3A_148 : i32 to vector<16xi32>
            %ge3A_197 = arith.cmpi sge, %add3A_179, %ge3A : vector<16xi32>
            %add3A_198 = arith.constant 512 : i32
            %add3A_199 = arith.addi %and3A_148, %add3A_198 : i32
            %lt3A = vector.broadcast %add3A_199 : i32 to vector<16xi32>
            %lt3A_200 = arith.cmpi slt, %add3A_179, %lt3A : vector<16xi32>
            %and3A_201 = arith.andi %ge3A_197, %lt3A_200 : vector<16xi1>
            %lt3A_202 = vector.broadcast %squeeze3A_97 : i32 to vector<16xi32>
            %lt3A_203 = arith.cmpi slt, %add3A_196, %lt3A_202 : vector<16xi32>
            %and3A_204 = arith.andi %and3A_201, %lt3A_203 : vector<16xi1>
            %and3A_205 = arith.constant 65535 : i32
            %and3A_206 = vector.broadcast %and3A_205 : i32 to vector<16xi32>
            %and3A_207 = arith.andi %gather3A_183, %and3A_206 : vector<16xi32>
            %while3A_208 = scf.while (%while3A_210 = %and3A_204) : (vector<16xi1>) -> vector<16xi1> {
              %all_reduce_population_count3A = tpu.all_reduce %while3A_210 {dim = 0 : i64, kind = #tpu.reduction_kind<sum>} : vector<16xi1> -> vector<16xi32>
              %slice3A_211 = vector.extract_strided_slice %all_reduce_population_count3A {offsets = [0], sizes = [1], strides = [1]} : vector<16xi32> to vector<1xi32>
              %squeeze3A_212 = vector.extract %slice3A_211[0] : i32 from vector<1xi32>
              %ne3A = arith.constant 0 : i32
              %ne3A_213 = arith.cmpi ne, %squeeze3A_212, %ne3A : i32
              scf.condition(%ne3A_213) %while3A_210 : vector<16xi1>
            } do {
            ^bb0(%while3A_210: vector<16xi1>):
              %gather3A_211 = tpu.vector_load_idx %arg6[%and3A_207] masked %while3A_210 : memref<65536xf32, #tpu.memory_space<vmem>>[vector<16xi32>], vector<16xf32>, vector<16xi1>
              %max3A = arith.maximumf %gather3A_211, %bitcast3A : vector<16xf32>
              tpu.vector_store_idx %arg6[%and3A_207], %max3A masked %while3A_210 : memref<65536xf32, #tpu.memory_space<vmem>>[vector<16xi32>], vector<16xf32>, vector<16xi1>
              %gather3A_212 = tpu.vector_load_idx %arg6[%and3A_207] masked %while3A_210 : memref<65536xf32, #tpu.memory_space<vmem>>[vector<16xi32>], vector<16xf32>, vector<16xi1>
              %lt3A_213 = arith.cmpf olt, %gather3A_212, %bitcast3A : vector<16xf32>
              %and3A_214 = arith.andi %while3A_210, %lt3A_213 : vector<16xi1>
              scf.yield %and3A_214 : vector<16xi1>
            }
            %while3A_209 = arith.constant 0 : i32
            scf.yield %while3A_209 : i32
          }
          %while3A_171 = arith.constant 1 : i32
          %while3A_172 = scf.for %while3A_174 = %while3A_168 to %while3A_164 step %while3A_171 iter_args(%while3A_175 = %while3A_170) -> (i32)  : i32 {
            %mul3A_176 = arith.constant 16 : i32
            %mul3A_177 = arith.muli %while3A_174, %mul3A_176 : i32
            %add3A_178 = vector.broadcast %mul3A_177 : i32 to vector<16xi32>
            %add3A_179 = arith.addi %add3A_178, %iota3A : vector<16xi32>
            %mul3A_180 = arith.constant 2 : i32
            %mul3A_181 = vector.broadcast %mul3A_180 : i32 to vector<16xi32>
            %mul3A_182 = arith.muli %add3A_179, %mul3A_181 : vector<16xi32>
            %gather3A_183 = tpu.vector_load_idx %arg9[%mul3A_182] : memref<1056xi32, #tpu.memory_space<vmem>>[vector<16xi32>], vector<16xi32>,
            %mul3A_184 = arith.constant 2 : i32
            %mul3A_185 = vector.broadcast %mul3A_184 : i32 to vector<16xi32>
            %mul3A_186 = arith.muli %add3A_179, %mul3A_185 : vector<16xi32>
            %add3A_187 = arith.constant 1 : i32
            %add3A_188 = vector.broadcast %add3A_187 : i32 to vector<16xi32>
            %add3A_189 = arith.addi %mul3A_186, %add3A_188 : vector<16xi32>
            %gather3A_190 = tpu.vector_load_idx %arg9[%add3A_189] : memref<1056xi32, #tpu.memory_space<vmem>>[vector<16xi32>], vector<16xi32>,
            %bitcast3A = vector.bitcast %gather3A_190 : vector<16xi32> to vector<16xf32>
            %sub3A_191 = vector.broadcast %and3A_148 : i32 to vector<16xi32>
            %sub3A_192 = arith.subi %add3A_179, %sub3A_191 : vector<16xi32>
            %mul3A_193 = arith.constant 512 : i32
            %mul3A_194 = arith.muli %while3A_138, %mul3A_193 : i32
            %add3A_195 = vector.broadcast %mul3A_194 : i32 to vector<16xi32>
            %add3A_196 = arith.addi %sub3A_192, %add3A_195 : vector<16xi32>
            %ge3A = vector.broadcast %and3A_148 : i32 to vector<16xi32>
            %ge3A_197 = arith.cmpi sge, %add3A_179, %ge3A : vector<16xi32>
            %add3A_198 = arith.constant 512 : i32
            %add3A_199 = arith.addi %and3A_148, %add3A_198 : i32
            %lt3A = vector.broadcast %add3A_199 : i32 to vector<16xi32>
            %lt3A_200 = arith.cmpi slt, %add3A_179, %lt3A : vector<16xi32>
            %and3A_201 = arith.andi %ge3A_197, %lt3A_200 : vector<16xi1>
            %lt3A_202 = vector.broadcast %squeeze3A_97 : i32 to vector<16xi32>
            %lt3A_203 = arith.cmpi slt, %add3A_196, %lt3A_202 : vector<16xi32>
            %and3A_204 = arith.andi %and3A_201, %lt3A_203 : vector<16xi1>
            %and3A_205 = arith.constant 65535 : i32
            %and3A_206 = vector.broadcast %and3A_205 : i32 to vector<16xi32>
            %and3A_207 = arith.andi %gather3A_183, %and3A_206 : vector<16xi32>
            %while3A_208 = scf.while (%while3A_210 = %and3A_204) : (vector<16xi1>) -> vector<16xi1> {
              %all_reduce_population_count3A = tpu.all_reduce %while3A_210 {dim = 0 : i64, kind = #tpu.reduction_kind<sum>} : vector<16xi1> -> vector<16xi32>
              %slice3A_211 = vector.extract_strided_slice %all_reduce_population_count3A {offsets = [0], sizes = [1], strides = [1]} : vector<16xi32> to vector<1xi32>
              %squeeze3A_212 = vector.extract %slice3A_211[0] : i32 from vector<1xi32>
              %ne3A = arith.constant 0 : i32
              %ne3A_213 = arith.cmpi ne, %squeeze3A_212, %ne3A : i32
              scf.condition(%ne3A_213) %while3A_210 : vector<16xi1>
            } do {
            ^bb0(%while3A_210: vector<16xi1>):
              %gather3A_211 = tpu.vector_load_idx %arg6[%and3A_207] masked %while3A_210 : memref<65536xf32, #tpu.memory_space<vmem>>[vector<16xi32>], vector<16xf32>, vector<16xi1>
              %max3A = arith.maximumf %gather3A_211, %bitcast3A : vector<16xf32>
              tpu.vector_store_idx %arg6[%and3A_207], %max3A masked %while3A_210 : memref<65536xf32, #tpu.memory_space<vmem>>[vector<16xi32>], vector<16xf32>, vector<16xi1>
              %gather3A_212 = tpu.vector_load_idx %arg6[%and3A_207] masked %while3A_210 : memref<65536xf32, #tpu.memory_space<vmem>>[vector<16xi32>], vector<16xf32>, vector<16xi1>
              %lt3A_213 = arith.cmpf olt, %gather3A_212, %bitcast3A : vector<16xf32>
              %and3A_214 = arith.andi %while3A_210, %lt3A_213 : vector<16xi1>
              scf.yield %and3A_214 : vector<16xi1>
            }
            %while3A_209 = arith.constant 0 : i32
            scf.yield %while3A_209 : i32
          }
          %while3A_173 = arith.constant 0 : i32
          scf.yield %while3A_173 : i32
        }
        %scan3A_137 = arith.constant 0 : i32
        scf.yield %scan3A_137 : i32
      }
      %scan3A_86 = arith.constant 32 : i32
      "tpu.region"() ({
        %run_scoped3A = tpu.sem_alloc : memref<!tpu.dma_semaphore, #tpu.memory_space<semaphore_mem>>
        %dma_start3A = tpu.memref_slice %arg5[%mul3A_26] : memref<8388608xf32, #tpu.memory_space<hbm>> -> memref<65536xf32, #tpu.memory_space<hbm>>
        %dma_start3A_89 = tpu.memref_slice %arg5[%mul3A_26] : memref<8388608xf32, #tpu.memory_space<hbm>> -> memref<65536xf32, #tpu.memory_space<hbm>>
        tpu.enqueue_dma source(%arg6 : memref<65536xf32, #tpu.memory_space<vmem>>) target(%dma_start3A_89 : memref<65536xf32, #tpu.memory_space<hbm>>) target_semaphore(%run_scoped3A : memref<!tpu.dma_semaphore, #tpu.memory_space<semaphore_mem>>)
        %dma_wait3A = tpu.memref_slice %arg5[%mul3A_26] : memref<8388608xf32, #tpu.memory_space<hbm>> -> memref<65536xf32, #tpu.memory_space<hbm>>
        %dma_wait3A_90 = tpu.memref_slice %arg5[%mul3A_26] : memref<8388608xf32, #tpu.memory_space<hbm>> -> memref<65536xf32, #tpu.memory_space<hbm>>
        tpu.wait_dma2 semaphore(%run_scoped3A : memref<!tpu.dma_semaphore, #tpu.memory_space<semaphore_mem>>) src(%arg6 : memref<65536xf32, #tpu.memory_space<vmem>>) dst(%dma_wait3A_90 : memref<65536xf32, #tpu.memory_space<hbm>>)
        tpu.yield
      }) : () -> ()
      %add3A_87 = arith.addi %scan3A_20, %gather3A : vector<16xi32>
      %add3A_88 = arith.addi %scan3A_21, %gather3A_40 : vector<16xi32>
      scf.yield %add3A_87, %add3A_88 : vector<16xi32>, vector<16xi32>
    }
    %scan3A_18 = arith.constant 4 : i32
    return
  }
}

#map = affine_map<(d0, d1) -> (0)>
module attributes {stable_mosaic.version = 14 : i64} {
  func.func @_phase1(%arg0: i32, %arg1: i32, %arg2: memref<3145728xf32, #tpu.memory_space<hbm>>, %arg3: memref<1048576xi32, #tpu.memory_space<hbm>>, %arg4: memref<1048576xf32, #tpu.memory_space<hbm>>, %arg5: memref<2101248xi32, #tpu.memory_space<hbm>>, %arg6: memref<4096xi32, #tpu.memory_space<hbm>>, %arg7: memref<32768xi32, #tpu.memory_space<vmem>>, %arg8: memref<65536xi32, #tpu.memory_space<vmem>>, %arg9: memref<6144xf32, #tpu.memory_space<vmem>>, %arg10: memref<2048xi32, #tpu.memory_space<vmem>>, %arg11: memref<2048xf32, #tpu.memory_space<vmem>>, %arg12: memref<2048xi32, #tpu.memory_space<vmem>>, %arg13: memref<2048xi32, #tpu.memory_space<vmem>>, %arg14: memref<128xi32, #tpu.memory_space<vmem>>) attributes {dimension_semantics = [#tpu.dimension_semantics<core_parallel>, #tpu.dimension_semantics<subcore_parallel>], iteration_bounds = array<i64: 2, 16>, scalar_prefetch = 0 : i64, scratch_operands = 8 : i64, tpu.core_type = #tpu.core_type<sc_vector_subcore>, window_params = [{transform_indices = #map}, {transform_indices = #map}, {transform_indices = #map}, {transform_indices = #map}, {transform_indices = #map}]} {
    %mul3A = arith.constant 2 : i32
    %mul3A_0 = arith.muli %arg1, %mul3A : i32
    %add3A = arith.addi %mul3A_0, %arg0 : i32
    %mul3A_1 = arith.constant 32768 : i32
    %mul3A_2 = arith.muli %add3A, %mul3A_1 : i32
    %iota3A = tpu.iota {dimensions = array<i32: 0>} : vector<16xi32>
    %broadcast_in_dim3A = arith.constant 0 : i32
    %broadcast_in_dim3A_3 = vector.broadcast %broadcast_in_dim3A : i32 to vector<16xi32>
    %scan3A = arith.constant 0 : i32
    %scan3A_4 = arith.constant 0 : i32
    %scan3A_5 = arith.constant 128 : i32
    %scan3A_6 = arith.addi %scan3A_4, %scan3A_5 : i32
    %scan3A_7 = arith.constant 1 : i32
    %scan3A_8 = scf.for %scan3A_35 = %scan3A_4 to %scan3A_6 step %scan3A_7 iter_args(%scan3A_36 = %scan3A) -> (i32)  : i32 {
      %mul3A_37 = arith.constant 16 : i32
      %mul3A_38 = arith.muli %scan3A_35, %mul3A_37 : i32
      %swap3A = arith.index_cast %mul3A_38 : i32 to index
      %swap3A_39 = tpu.vector_load %arg12[%swap3A] {strides = array<i32>} : memref<2048xi32, #tpu.memory_space<vmem>>, vector<16xi32>,
      tpu.vector_store %arg12[%swap3A], %broadcast_in_dim3A_3 {strides = array<i32>} : memref<2048xi32, #tpu.memory_space<vmem>>, vector<16xi32>,
      %scan3A_40 = arith.constant 0 : i32
      scf.yield %scan3A_40 : i32
    }
    %scan3A_9 = arith.constant 128 : i32
    %scan3A_10 = arith.constant 0 : i32
    %scan3A_11 = arith.constant 0 : i32
    %scan3A_12 = arith.constant 16 : i32
    %scan3A_13 = arith.addi %scan3A_11, %scan3A_12 : i32
    %scan3A_14 = arith.constant 1 : i32
    %scan3A_15 = scf.for %scan3A_35 = %scan3A_11 to %scan3A_13 step %scan3A_14 iter_args(%scan3A_36 = %scan3A_10) -> (i32)  : i32 {
      %mul3A_37 = arith.constant 2048 : i32
      %mul3A_38 = arith.muli %scan3A_35, %mul3A_37 : i32
      %add3A_39 = arith.addi %mul3A_2, %mul3A_38 : i32
      "tpu.region"() ({
        %run_scoped3A = tpu.sem_alloc : memref<!tpu.dma_semaphore, #tpu.memory_space<semaphore_mem>>
        %dma_start3A = arith.constant 0 : i32
        %dma_start3A_52 = tpu.memref_slice %arg9[%dma_start3A] : memref<6144xf32, #tpu.memory_space<vmem>> -> memref<2048xf32, #tpu.memory_space<vmem>>
        %dma_start3A_53 = tpu.memref_slice %arg2[%add3A_39] : memref<3145728xf32, #tpu.memory_space<hbm>> -> memref<2048xf32, #tpu.memory_space<hbm>>
        %dma_start3A_54 = arith.constant 0 : i32
        %dma_start3A_55 = tpu.memref_slice %arg9[%dma_start3A_54] : memref<6144xf32, #tpu.memory_space<vmem>> -> memref<2048xf32, #tpu.memory_space<vmem>>
        %dma_start3A_56 = tpu.memref_slice %arg2[%add3A_39] : memref<3145728xf32, #tpu.memory_space<hbm>> -> memref<2048xf32, #tpu.memory_space<hbm>>
        tpu.enqueue_dma source(%dma_start3A_56 : memref<2048xf32, #tpu.memory_space<hbm>>) target(%dma_start3A_55 : memref<2048xf32, #tpu.memory_space<vmem>>) target_semaphore(%run_scoped3A : memref<!tpu.dma_semaphore, #tpu.memory_space<semaphore_mem>>)
        %dma_wait3A = arith.constant 0 : i32
        %dma_wait3A_57 = tpu.memref_slice %arg9[%dma_wait3A] : memref<6144xf32, #tpu.memory_space<vmem>> -> memref<2048xf32, #tpu.memory_space<vmem>>
        %dma_wait3A_58 = tpu.memref_slice %arg2[%add3A_39] : memref<3145728xf32, #tpu.memory_space<hbm>> -> memref<2048xf32, #tpu.memory_space<hbm>>
        %dma_wait3A_59 = arith.constant 0 : i32
        %dma_wait3A_60 = tpu.memref_slice %arg9[%dma_wait3A_59] : memref<6144xf32, #tpu.memory_space<vmem>> -> memref<2048xf32, #tpu.memory_space<vmem>>
        %dma_wait3A_61 = tpu.memref_slice %arg2[%add3A_39] : memref<3145728xf32, #tpu.memory_space<hbm>> -> memref<2048xf32, #tpu.memory_space<hbm>>
        tpu.wait_dma2 semaphore(%run_scoped3A : memref<!tpu.dma_semaphore, #tpu.memory_space<semaphore_mem>>) src(%dma_wait3A_61 : memref<2048xf32, #tpu.memory_space<hbm>>) dst(%dma_wait3A_60 : memref<2048xf32, #tpu.memory_space<vmem>>)
        tpu.yield
      }) : () -> ()
      %add3A_40 = arith.constant 1048576 : i32
      %add3A_41 = arith.addi %add3A_40, %add3A_39 : i32
      "tpu.region"() ({
        %run_scoped3A = tpu.sem_alloc : memref<!tpu.dma_semaphore, #tpu.memory_space<semaphore_mem>>
        %dma_start3A = arith.constant 2048 : i32
        %dma_start3A_52 = tpu.memref_slice %arg9[%dma_start3A] : memref<6144xf32, #tpu.memory_space<vmem>> -> memref<2048xf32, #tpu.memory_space<vmem>>
        %dma_start3A_53 = tpu.memref_slice %arg2[%add3A_41] : memref<3145728xf32, #tpu.memory_space<hbm>> -> memref<2048xf32, #tpu.memory_space<hbm>>
        %dma_start3A_54 = arith.constant 2048 : i32
        %dma_start3A_55 = tpu.memref_slice %arg9[%dma_start3A_54] : memref<6144xf32, #tpu.memory_space<vmem>> -> memref<2048xf32, #tpu.memory_space<vmem>>
        %dma_start3A_56 = tpu.memref_slice %arg2[%add3A_41] : memref<3145728xf32, #tpu.memory_space<hbm>> -> memref<2048xf32, #tpu.memory_space<hbm>>
        tpu.enqueue_dma source(%dma_start3A_56 : memref<2048xf32, #tpu.memory_space<hbm>>) target(%dma_start3A_55 : memref<2048xf32, #tpu.memory_space<vmem>>) target_semaphore(%run_scoped3A : memref<!tpu.dma_semaphore, #tpu.memory_space<semaphore_mem>>)
        %dma_wait3A = arith.constant 2048 : i32
        %dma_wait3A_57 = tpu.memref_slice %arg9[%dma_wait3A] : memref<6144xf32, #tpu.memory_space<vmem>> -> memref<2048xf32, #tpu.memory_space<vmem>>
        %dma_wait3A_58 = tpu.memref_slice %arg2[%add3A_41] : memref<3145728xf32, #tpu.memory_space<hbm>> -> memref<2048xf32, #tpu.memory_space<hbm>>
        %dma_wait3A_59 = arith.constant 2048 : i32
        %dma_wait3A_60 = tpu.memref_slice %arg9[%dma_wait3A_59] : memref<6144xf32, #tpu.memory_space<vmem>> -> memref<2048xf32, #tpu.memory_space<vmem>>
        %dma_wait3A_61 = tpu.memref_slice %arg2[%add3A_41] : memref<3145728xf32, #tpu.memory_space<hbm>> -> memref<2048xf32, #tpu.memory_space<hbm>>
        tpu.wait_dma2 semaphore(%run_scoped3A : memref<!tpu.dma_semaphore, #tpu.memory_space<semaphore_mem>>) src(%dma_wait3A_61 : memref<2048xf32, #tpu.memory_space<hbm>>) dst(%dma_wait3A_60 : memref<2048xf32, #tpu.memory_space<vmem>>)
        tpu.yield
      }) : () -> ()
      %add3A_42 = arith.constant 2097152 : i32
      %add3A_43 = arith.addi %add3A_42, %add3A_39 : i32
      "tpu.region"() ({
        %run_scoped3A = tpu.sem_alloc : memref<!tpu.dma_semaphore, #tpu.memory_space<semaphore_mem>>
        %dma_start3A = arith.constant 4096 : i32
        %dma_start3A_52 = tpu.memref_slice %arg9[%dma_start3A] : memref<6144xf32, #tpu.memory_space<vmem>> -> memref<2048xf32, #tpu.memory_space<vmem>>
        %dma_start3A_53 = tpu.memref_slice %arg2[%add3A_43] : memref<3145728xf32, #tpu.memory_space<hbm>> -> memref<2048xf32, #tpu.memory_space<hbm>>
        %dma_start3A_54 = arith.constant 4096 : i32
        %dma_start3A_55 = tpu.memref_slice %arg9[%dma_start3A_54] : memref<6144xf32, #tpu.memory_space<vmem>> -> memref<2048xf32, #tpu.memory_space<vmem>>
        %dma_start3A_56 = tpu.memref_slice %arg2[%add3A_43] : memref<3145728xf32, #tpu.memory_space<hbm>> -> memref<2048xf32, #tpu.memory_space<hbm>>
        tpu.enqueue_dma source(%dma_start3A_56 : memref<2048xf32, #tpu.memory_space<hbm>>) target(%dma_start3A_55 : memref<2048xf32, #tpu.memory_space<vmem>>) target_semaphore(%run_scoped3A : memref<!tpu.dma_semaphore, #tpu.memory_space<semaphore_mem>>)
        %dma_wait3A = arith.constant 4096 : i32
        %dma_wait3A_57 = tpu.memref_slice %arg9[%dma_wait3A] : memref<6144xf32, #tpu.memory_space<vmem>> -> memref<2048xf32, #tpu.memory_space<vmem>>
        %dma_wait3A_58 = tpu.memref_slice %arg2[%add3A_43] : memref<3145728xf32, #tpu.memory_space<hbm>> -> memref<2048xf32, #tpu.memory_space<hbm>>
        %dma_wait3A_59 = arith.constant 4096 : i32
        %dma_wait3A_60 = tpu.memref_slice %arg9[%dma_wait3A_59] : memref<6144xf32, #tpu.memory_space<vmem>> -> memref<2048xf32, #tpu.memory_space<vmem>>
        %dma_wait3A_61 = tpu.memref_slice %arg2[%add3A_43] : memref<3145728xf32, #tpu.memory_space<hbm>> -> memref<2048xf32, #tpu.memory_space<hbm>>
        tpu.wait_dma2 semaphore(%run_scoped3A : memref<!tpu.dma_semaphore, #tpu.memory_space<semaphore_mem>>) src(%dma_wait3A_61 : memref<2048xf32, #tpu.memory_space<hbm>>) dst(%dma_wait3A_60 : memref<2048xf32, #tpu.memory_space<vmem>>)
        tpu.yield
      }) : () -> ()
      "tpu.region"() ({
        %run_scoped3A = tpu.sem_alloc : memref<!tpu.dma_semaphore, #tpu.memory_space<semaphore_mem>>
        %dma_start3A = tpu.memref_slice %arg3[%add3A_39] : memref<1048576xi32, #tpu.memory_space<hbm>> -> memref<2048xi32, #tpu.memory_space<hbm>>
        %dma_start3A_52 = tpu.memref_slice %arg3[%add3A_39] : memref<1048576xi32, #tpu.memory_space<hbm>> -> memref<2048xi32, #tpu.memory_space<hbm>>
        tpu.enqueue_dma source(%dma_start3A_52 : memref<2048xi32, #tpu.memory_space<hbm>>) target(%arg10 : memref<2048xi32, #tpu.memory_space<vmem>>) target_semaphore(%run_scoped3A : memref<!tpu.dma_semaphore, #tpu.memory_space<semaphore_mem>>)
        %dma_wait3A = tpu.memref_slice %arg3[%add3A_39] : memref<1048576xi32, #tpu.memory_space<hbm>> -> memref<2048xi32, #tpu.memory_space<hbm>>
        %dma_wait3A_53 = tpu.memref_slice %arg3[%add3A_39] : memref<1048576xi32, #tpu.memory_space<hbm>> -> memref<2048xi32, #tpu.memory_space<hbm>>
        tpu.wait_dma2 semaphore(%run_scoped3A : memref<!tpu.dma_semaphore, #tpu.memory_space<semaphore_mem>>) src(%dma_wait3A_53 : memref<2048xi32, #tpu.memory_space<hbm>>) dst(%arg10 : memref<2048xi32, #tpu.memory_space<vmem>>)
        tpu.yield
      }) : () -> ()
      %scan3A_44 = arith.constant 0 : i32
      %scan3A_45 = arith.constant 0 : i32
      %scan3A_46 = arith.constant 128 : i32
      %scan3A_47 = arith.addi %scan3A_45, %scan3A_46 : i32
      %scan3A_48 = arith.constant 1 : i32
      %scan3A_49 = scf.for %scan3A_52 = %scan3A_45 to %scan3A_47 step %scan3A_48 iter_args(%scan3A_53 = %scan3A_44) -> (i32)  : i32 {
        %mul3A_54 = arith.constant 16 : i32
        %mul3A_55 = arith.muli %scan3A_52, %mul3A_54 : i32
        %get3A = arith.index_cast %mul3A_55 : i32 to index
        %get3A_56 = tpu.vector_load %arg9[%get3A] {strides = array<i32>} : memref<6144xf32, #tpu.memory_space<vmem>>, vector<16xf32>,
        %mul3A_57 = arith.constant 16 : i32
        %mul3A_58 = arith.muli %scan3A_52, %mul3A_57 : i32
        %add3A_59 = arith.constant 2048 : i32
        %add3A_60 = arith.addi %add3A_59, %mul3A_58 : i32
        %get3A_61 = arith.index_cast %add3A_60 : i32 to index
        %get3A_62 = tpu.vector_load %arg9[%get3A_61] {strides = array<i32>} : memref<6144xf32, #tpu.memory_space<vmem>>, vector<16xf32>,
        %mul3A_63 = arith.constant 16 : i32
        %mul3A_64 = arith.muli %scan3A_52, %mul3A_63 : i32
        %add3A_65 = arith.constant 4096 : i32
        %add3A_66 = arith.addi %add3A_65, %mul3A_64 : i32
        %get3A_67 = arith.index_cast %add3A_66 : i32 to index
        %get3A_68 = tpu.vector_load %arg9[%get3A_67] {strides = array<i32>} : memref<6144xf32, #tpu.memory_space<vmem>>, vector<16xf32>,
        %mul3A_69 = arith.constant 16 : i32
        %mul3A_70 = arith.muli %scan3A_52, %mul3A_69 : i32
        %get3A_71 = arith.index_cast %mul3A_70 : i32 to index
        %get3A_72 = tpu.vector_load %arg10[%get3A_71] {strides = array<i32>} : memref<2048xi32, #tpu.memory_space<vmem>>, vector<16xi32>,
        %mul3A_73 = arith.constant 1.280000e+02 : f32
        %mul3A_74 = vector.broadcast %mul3A_73 : f32 to vector<16xf32>
        %mul3A_75 = arith.mulf %get3A_56, %mul3A_74 : vector<16xf32>
        %convert_element_type3A = arith.fptosi %mul3A_75 : vector<16xf32> to vector<16xi32>
        %jit3A = arith.constant 0 : i32
        %jit3A_76 = arith.constant 127 : i32
        %max3A = vector.broadcast %jit3A : i32 to vector<16xi32>
        %max3A_77 = arith.maxsi %max3A, %convert_element_type3A : vector<16xi32>
        %min3A = vector.broadcast %jit3A_76 : i32 to vector<16xi32>
        %min3A_78 = arith.minsi %min3A, %max3A_77 : vector<16xi32>
        %mul3A_79 = arith.constant 1.280000e+02 : f32
        %mul3A_80 = vector.broadcast %mul3A_79 : f32 to vector<16xf32>
        %mul3A_81 = arith.mulf %get3A_62, %mul3A_80 : vector<16xf32>
        %convert_element_type3A_82 = arith.fptosi %mul3A_81 : vector<16xf32> to vector<16xi32>
        %jit3A_83 = arith.constant 0 : i32
        %jit3A_84 = arith.constant 127 : i32
        %max3A_85 = vector.broadcast %jit3A_83 : i32 to vector<16xi32>
        %max3A_86 = arith.maxsi %max3A_85, %convert_element_type3A_82 : vector<16xi32>
        %min3A_87 = vector.broadcast %jit3A_84 : i32 to vector<16xi32>
        %min3A_88 = arith.minsi %min3A_87, %max3A_86 : vector<16xi32>
        %mul3A_89 = arith.constant 1.280000e+02 : f32
        %mul3A_90 = vector.broadcast %mul3A_89 : f32 to vector<16xf32>
        %mul3A_91 = arith.mulf %get3A_68, %mul3A_90 : vector<16xf32>
        %convert_element_type3A_92 = arith.fptosi %mul3A_91 : vector<16xf32> to vector<16xi32>
        %jit3A_93 = arith.constant 0 : i32
        %jit3A_94 = arith.constant 127 : i32
        %max3A_95 = vector.broadcast %jit3A_93 : i32 to vector<16xi32>
        %max3A_96 = arith.maxsi %max3A_95, %convert_element_type3A_92 : vector<16xi32>
        %min3A_97 = vector.broadcast %jit3A_94 : i32 to vector<16xi32>
        %min3A_98 = arith.minsi %min3A_97, %max3A_96 : vector<16xi32>
        %shift_left3A = arith.constant 21 : i32
        %shift_left3A_99 = vector.broadcast %shift_left3A : i32 to vector<16xi32>
        %shift_left3A_100 = arith.shli %get3A_72, %shift_left3A_99 : vector<16xi32>
        %shift_left3A_101 = arith.constant 14 : i32
        %shift_left3A_102 = vector.broadcast %shift_left3A_101 : i32 to vector<16xi32>
        %shift_left3A_103 = arith.shli %min3A_78, %shift_left3A_102 : vector<16xi32>
        %or3A = arith.ori %shift_left3A_100, %shift_left3A_103 : vector<16xi32>
        %shift_left3A_104 = arith.constant 7 : i32
        %shift_left3A_105 = vector.broadcast %shift_left3A_104 : i32 to vector<16xi32>
        %shift_left3A_106 = arith.shli %min3A_88, %shift_left3A_105 : vector<16xi32>
        %or3A_107 = arith.ori %or3A, %shift_left3A_106 : vector<16xi32>
        %or3A_108 = arith.ori %or3A_107, %min3A_98 : vector<16xi32>
        %mul3A_109 = arith.constant 2048 : i32
        %mul3A_110 = arith.muli %scan3A_35, %mul3A_109 : i32
        %mul3A_111 = arith.constant 16 : i32
        %mul3A_112 = arith.muli %scan3A_52, %mul3A_111 : i32
        %add3A_113 = arith.addi %mul3A_110, %mul3A_112 : i32
        %swap3A = arith.index_cast %add3A_113 : i32 to index
        %swap3A_114 = tpu.vector_load %arg7[%swap3A] {strides = array<i32>} : memref<32768xi32, #tpu.memory_space<vmem>>, vector<16xi32>,
        tpu.vector_store %arg7[%swap3A], %or3A_108 {strides = array<i32>} : memref<32768xi32, #tpu.memory_space<vmem>>, vector<16xi32>,
        %shift_right_logical3A = arith.constant 16 : i32
        %shift_right_logical3A_115 = vector.broadcast %shift_right_logical3A : i32 to vector<16xi32>
        %shift_right_logical3A_116 = arith.shrui %or3A_108, %shift_right_logical3A_115 : vector<16xi32>
        %mul3A_117 = arith.constant 16 : i32
        %mul3A_118 = vector.broadcast %mul3A_117 : i32 to vector<16xi32>
        %mul3A_119 = arith.muli %shift_right_logical3A_116, %mul3A_118 : vector<16xi32>
        %add3A_120 = arith.addi %mul3A_119, %iota3A : vector<16xi32>
        %gather3A = tpu.vector_load_idx %arg12[%add3A_120] : memref<2048xi32, #tpu.memory_space<vmem>>[vector<16xi32>], vector<16xi32>,
        %add3A_121 = arith.constant 1 : i32
        %add3A_122 = vector.broadcast %add3A_121 : i32 to vector<16xi32>
        %add3A_123 = arith.addi %gather3A, %add3A_122 : vector<16xi32>
        tpu.vector_store_idx %arg12[%add3A_120], %add3A_123 : memref<2048xi32, #tpu.memory_space<vmem>>[vector<16xi32>], vector<16xi32>,
        %scan3A_124 = arith.constant 0 : i32
        scf.yield %scan3A_124 : i32
      }
      %scan3A_50 = arith.constant 128 : i32
      %scan3A_51 = arith.constant 0 : i32
      scf.yield %scan3A_51 : i32
    }
    %scan3A_16 = arith.constant 16 : i32
    %scan3A_17 = arith.constant 0 : i32
    %scan3A_18 = arith.constant 0 : i32
    %scan3A_19 = arith.constant 128 : i32
    %scan3A_20 = arith.addi %scan3A_18, %scan3A_19 : i32
    %scan3A_21 = arith.constant 1 : i32
    %scan3A_22 = scf.for %scan3A_35 = %scan3A_18 to %scan3A_20 step %scan3A_21 iter_args(%scan3A_36 = %scan3A_17) -> (i32)  : i32 {
      %mul3A_37 = arith.constant 16 : i32
      %mul3A_38 = arith.muli %scan3A_35, %mul3A_37 : i32
      %get3A = arith.index_cast %mul3A_38 : i32 to index
      %get3A_39 = tpu.vector_load %arg12[%get3A] {strides = array<i32>} : memref<2048xi32, #tpu.memory_space<vmem>>, vector<16xi32>,
      %broadcast_in_dim3A_40 = arith.constant true
      %broadcast_in_dim3A_41 = vector.broadcast %broadcast_in_dim3A_40 : i1 to vector<16xi1>
      %masked_cumsum3A = tpu.scan <sum>, %get3A_39 masked %broadcast_in_dim3A_41 : vector<16xi32>, vector<16xi1> -> vector<16xi32>
      %reduce_sum3A = arith.constant true
      %reduce_sum3A_42 = vector.broadcast %reduce_sum3A : i1 to vector<16xi1>
      %reduce_sum3A_43 = tpu.scan <sum>, %get3A_39 masked %reduce_sum3A_42 : vector<16xi32>, vector<16xi1> -> vector<16xi32>
      %reduce_sum3A_44 = vector.extract %reduce_sum3A_43[15] : i32 from vector<16xi32>
      %sub3A = arith.subi %masked_cumsum3A, %get3A_39 : vector<16xi32>
      %add3A_45 = vector.broadcast %scan3A_36 : i32 to vector<16xi32>
      %add3A_46 = arith.addi %sub3A, %add3A_45 : vector<16xi32>
      %mul3A_47 = arith.constant 16 : i32
      %mul3A_48 = arith.muli %scan3A_35, %mul3A_47 : i32
      %swap3A = arith.index_cast %mul3A_48 : i32 to index
      %swap3A_49 = tpu.vector_load %arg13[%swap3A] {strides = array<i32>} : memref<2048xi32, #tpu.memory_space<vmem>>, vector<16xi32>,
      tpu.vector_store %arg13[%swap3A], %add3A_46 {strides = array<i32>} : memref<2048xi32, #tpu.memory_space<vmem>>, vector<16xi32>,
      %add3A_50 = vector.broadcast %scan3A_35 : i32 to vector<16xi32>
      %add3A_51 = arith.addi %broadcast_in_dim3A_3, %add3A_50 : vector<16xi32>
      %add3A_52 = vector.broadcast %reduce_sum3A_44 : i32 to vector<16xi32>
      %add3A_53 = arith.addi %broadcast_in_dim3A_3, %add3A_52 : vector<16xi32>
      %eq3A = arith.constant 0 : i32
      %eq3A_54 = vector.broadcast %eq3A : i32 to vector<16xi32>
      %eq3A_55 = arith.cmpi eq, %iota3A, %eq3A_54 : vector<16xi32>
      tpu.vector_store_idx %arg14[%add3A_51], %add3A_53 masked %eq3A_55 : memref<128xi32, #tpu.memory_space<vmem>>[vector<16xi32>], vector<16xi32>, vector<16xi1>
      %add3A_56 = arith.addi %scan3A_36, %reduce_sum3A_44 : i32
      scf.yield %add3A_56 : i32
    }
    %scan3A_23 = arith.constant 128 : i32
    %scan3A_24 = arith.constant 0 : i32
    %scan3A_25 = arith.constant 0 : i32
    %scan3A_26 = arith.constant 16 : i32
    %scan3A_27 = arith.addi %scan3A_25, %scan3A_26 : i32
    %scan3A_28 = arith.constant 1 : i32
    %scan3A_29 = scf.for %scan3A_35 = %scan3A_25 to %scan3A_27 step %scan3A_28 iter_args(%scan3A_36 = %scan3A_24) -> (i32)  : i32 {
      %mul3A_37 = arith.constant 2048 : i32
      %mul3A_38 = arith.muli %scan3A_35, %mul3A_37 : i32
      %add3A_39 = arith.addi %mul3A_2, %mul3A_38 : i32
      "tpu.region"() ({
        %run_scoped3A = tpu.sem_alloc : memref<!tpu.dma_semaphore, #tpu.memory_space<semaphore_mem>>
        %dma_start3A = tpu.memref_slice %arg4[%add3A_39] : memref<1048576xf32, #tpu.memory_space<hbm>> -> memref<2048xf32, #tpu.memory_space<hbm>>
        %dma_start3A_48 = tpu.memref_slice %arg4[%add3A_39] : memref<1048576xf32, #tpu.memory_space<hbm>> -> memref<2048xf32, #tpu.memory_space<hbm>>
        tpu.enqueue_dma source(%dma_start3A_48 : memref<2048xf32, #tpu.memory_space<hbm>>) target(%arg11 : memref<2048xf32, #tpu.memory_space<vmem>>) target_semaphore(%run_scoped3A : memref<!tpu.dma_semaphore, #tpu.memory_space<semaphore_mem>>)
        %dma_wait3A = tpu.memref_slice %arg4[%add3A_39] : memref<1048576xf32, #tpu.memory_space<hbm>> -> memref<2048xf32, #tpu.memory_space<hbm>>
        %dma_wait3A_49 = tpu.memref_slice %arg4[%add3A_39] : memref<1048576xf32, #tpu.memory_space<hbm>> -> memref<2048xf32, #tpu.memory_space<hbm>>
        tpu.wait_dma2 semaphore(%run_scoped3A : memref<!tpu.dma_semaphore, #tpu.memory_space<semaphore_mem>>) src(%dma_wait3A_49 : memref<2048xf32, #tpu.memory_space<hbm>>) dst(%arg11 : memref<2048xf32, #tpu.memory_space<vmem>>)
        tpu.yield
      }) : () -> ()
      %scan3A_40 = arith.constant 0 : i32
      %scan3A_41 = arith.constant 0 : i32
      %scan3A_42 = arith.constant 128 : i32
      %scan3A_43 = arith.addi %scan3A_41, %scan3A_42 : i32
      %scan3A_44 = arith.constant 1 : i32
      %scan3A_45 = scf.for %scan3A_48 = %scan3A_41 to %scan3A_43 step %scan3A_44 iter_args(%scan3A_49 = %scan3A_40) -> (i32)  : i32 {
        %mul3A_50 = arith.constant 2048 : i32
        %mul3A_51 = arith.muli %scan3A_35, %mul3A_50 : i32
        %mul3A_52 = arith.constant 16 : i32
        %mul3A_53 = arith.muli %scan3A_48, %mul3A_52 : i32
        %add3A_54 = arith.addi %mul3A_51, %mul3A_53 : i32
        %get3A = arith.index_cast %add3A_54 : i32 to index
        %get3A_55 = tpu.vector_load %arg7[%get3A] {strides = array<i32>} : memref<32768xi32, #tpu.memory_space<vmem>>, vector<16xi32>,
        %mul3A_56 = arith.constant 16 : i32
        %mul3A_57 = arith.muli %scan3A_48, %mul3A_56 : i32
        %get3A_58 = arith.index_cast %mul3A_57 : i32 to index
        %get3A_59 = tpu.vector_load %arg11[%get3A_58] {strides = array<i32>} : memref<2048xf32, #tpu.memory_space<vmem>>, vector<16xf32>,
        %shift_right_logical3A = arith.constant 16 : i32
        %shift_right_logical3A_60 = vector.broadcast %shift_right_logical3A : i32 to vector<16xi32>
        %shift_right_logical3A_61 = arith.shrui %get3A_55, %shift_right_logical3A_60 : vector<16xi32>
        %mul3A_62 = arith.constant 16 : i32
        %mul3A_63 = vector.broadcast %mul3A_62 : i32 to vector<16xi32>
        %mul3A_64 = arith.muli %shift_right_logical3A_61, %mul3A_63 : vector<16xi32>
        %add3A_65 = arith.addi %mul3A_64, %iota3A : vector<16xi32>
        %gather3A = tpu.vector_load_idx %arg13[%add3A_65] : memref<2048xi32, #tpu.memory_space<vmem>>[vector<16xi32>], vector<16xi32>,
        %add3A_66 = arith.constant 1 : i32
        %add3A_67 = vector.broadcast %add3A_66 : i32 to vector<16xi32>
        %add3A_68 = arith.addi %gather3A, %add3A_67 : vector<16xi32>
        tpu.vector_store_idx %arg13[%add3A_65], %add3A_68 : memref<2048xi32, #tpu.memory_space<vmem>>[vector<16xi32>], vector<16xi32>,
        %mul3A_69 = arith.constant 2 : i32
        %mul3A_70 = vector.broadcast %mul3A_69 : i32 to vector<16xi32>
        %mul3A_71 = arith.muli %gather3A, %mul3A_70 : vector<16xi32>
        tpu.vector_store_idx %arg8[%mul3A_71], %get3A_55 : memref<65536xi32, #tpu.memory_space<vmem>>[vector<16xi32>], vector<16xi32>,
        %mul3A_72 = arith.constant 2 : i32
        %mul3A_73 = vector.broadcast %mul3A_72 : i32 to vector<16xi32>
        %mul3A_74 = arith.muli %gather3A, %mul3A_73 : vector<16xi32>
        %add3A_75 = arith.constant 1 : i32
        %add3A_76 = vector.broadcast %add3A_75 : i32 to vector<16xi32>
        %add3A_77 = arith.addi %mul3A_74, %add3A_76 : vector<16xi32>
        %bitcast3A = vector.bitcast %get3A_59 : vector<16xf32> to vector<16xi32>
        tpu.vector_store_idx %arg8[%add3A_77], %bitcast3A : memref<65536xi32, #tpu.memory_space<vmem>>[vector<16xi32>], vector<16xi32>,
        %scan3A_78 = arith.constant 0 : i32
        scf.yield %scan3A_78 : i32
      }
      %scan3A_46 = arith.constant 128 : i32
      %scan3A_47 = arith.constant 0 : i32
      scf.yield %scan3A_47 : i32
    }
    %scan3A_30 = arith.constant 16 : i32
    %mul3A_31 = arith.constant 65536 : i32
    %mul3A_32 = arith.muli %add3A, %mul3A_31 : i32
    "tpu.region"() ({
      %run_scoped3A = tpu.sem_alloc : memref<!tpu.dma_semaphore, #tpu.memory_space<semaphore_mem>>
      %dma_start3A = tpu.memref_slice %arg5[%mul3A_32] : memref<2101248xi32, #tpu.memory_space<hbm>> -> memref<65536xi32, #tpu.memory_space<hbm>>
      %dma_start3A_35 = tpu.memref_slice %arg5[%mul3A_32] : memref<2101248xi32, #tpu.memory_space<hbm>> -> memref<65536xi32, #tpu.memory_space<hbm>>
      tpu.enqueue_dma source(%arg8 : memref<65536xi32, #tpu.memory_space<vmem>>) target(%dma_start3A_35 : memref<65536xi32, #tpu.memory_space<hbm>>) target_semaphore(%run_scoped3A : memref<!tpu.dma_semaphore, #tpu.memory_space<semaphore_mem>>)
      %dma_wait3A = tpu.memref_slice %arg5[%mul3A_32] : memref<2101248xi32, #tpu.memory_space<hbm>> -> memref<65536xi32, #tpu.memory_space<hbm>>
      %dma_wait3A_36 = tpu.memref_slice %arg5[%mul3A_32] : memref<2101248xi32, #tpu.memory_space<hbm>> -> memref<65536xi32, #tpu.memory_space<hbm>>
      tpu.wait_dma2 semaphore(%run_scoped3A : memref<!tpu.dma_semaphore, #tpu.memory_space<semaphore_mem>>) src(%arg8 : memref<65536xi32, #tpu.memory_space<vmem>>) dst(%dma_wait3A_36 : memref<65536xi32, #tpu.memory_space<hbm>>)
      tpu.yield
    }) : () -> ()
    %mul3A_33 = arith.constant 128 : i32
    %mul3A_34 = arith.muli %add3A, %mul3A_33 : i32
    "tpu.region"() ({
      %run_scoped3A = tpu.sem_alloc : memref<!tpu.dma_semaphore, #tpu.memory_space<semaphore_mem>>
      %dma_start3A = tpu.memref_slice %arg6[%mul3A_34] : memref<4096xi32, #tpu.memory_space<hbm>> -> memref<128xi32, #tpu.memory_space<hbm>>
      %dma_start3A_35 = tpu.memref_slice %arg6[%mul3A_34] : memref<4096xi32, #tpu.memory_space<hbm>> -> memref<128xi32, #tpu.memory_space<hbm>>
      tpu.enqueue_dma source(%arg14 : memref<128xi32, #tpu.memory_space<vmem>>) target(%dma_start3A_35 : memref<128xi32, #tpu.memory_space<hbm>>) target_semaphore(%run_scoped3A : memref<!tpu.dma_semaphore, #tpu.memory_space<semaphore_mem>>)
      %dma_wait3A = tpu.memref_slice %arg6[%mul3A_34] : memref<4096xi32, #tpu.memory_space<hbm>> -> memref<128xi32, #tpu.memory_space<hbm>>
      %dma_wait3A_36 = tpu.memref_slice %arg6[%mul3A_34] : memref<4096xi32, #tpu.memory_space<hbm>> -> memref<128xi32, #tpu.memory_space<hbm>>
      tpu.wait_dma2 semaphore(%run_scoped3A : memref<!tpu.dma_semaphore, #tpu.memory_space<semaphore_mem>>) src(%arg14 : memref<128xi32, #tpu.memory_space<vmem>>) dst(%dma_wait3A_36 : memref<128xi32, #tpu.memory_space<hbm>>)
      tpu.yield
    }) : () -> ()
    return
  }
}

module attributes {stable_mosaic.version = 14 : i64} {
  func.func @_thr_body(%arg0: i32, %arg1: memref<2048x128xf32, #tpu.memory_space<vmem>>, %arg2: memref<2048x128xi32, #tpu.memory_space<vmem>>) attributes {dimension_semantics = [#tpu.dimension_semantics<arbitrary>], iteration_bounds = array<i64: 32>, scalar_prefetch = 0 : i64, scratch_operands = 0 : i64, tpu.core_type = #tpu.core_type<tc>, window_params = [{transform_indices = @transform_0, window_bounds = array<i64: 2048, 128>}, {transform_indices = @transform_1, window_bounds = array<i64: 2048, 128>}]} {
    %get3A = arith.constant 0 : index
    %get3A_0 = arith.constant 0 : index
    %get3A_1 = vector.load %arg1[%get3A, %get3A_0] : memref<2048x128xf32, #tpu.memory_space<vmem>>, vector<2048x128xf32>
    %gt3A = arith.constant 0.00999999977 : f32
    %gt3A_2 = vector.broadcast %gt3A : f32 to vector<2048x128xf32>
    %gt3A_3 = arith.cmpf ogt, %get3A_1, %gt3A_2 : vector<2048x128xf32>
    %swap3A = arith.constant 0 : index
    %swap3A_4 = arith.constant 0 : index
    %swap3A_5 = vector.load %arg2[%swap3A, %swap3A_4] : memref<2048x128xi32, #tpu.memory_space<vmem>>, vector<2048x128xi32>
    %swap3A_6 = arith.extui %gt3A_3 : vector<2048x128xi1> to vector<2048x128xi32>
    %swap3A_7 = arith.constant dense<0> : vector<2048x128xi32>
    %swap3A_8 = arith.cmpi ne, %swap3A_5, %swap3A_7 : vector<2048x128xi32>
    tpu.vector_store %arg2[%swap3A, %swap3A_4], %swap3A_6 {strides = array<i32>} : memref<2048x128xi32, #tpu.memory_space<vmem>>, vector<2048x128xi32>,
    return
  }
  func.func @transform_0(%arg0: i32) -> (i32, i32) {
    %c0_i32 = arith.constant 0 : i32
    %c0_i32_0 = arith.constant 0 : i32
    return %arg0, %c0_i32 : i32, i32
  }
  func.func @transform_1(%arg0: i32) -> (i32, i32) {
    %c0_i32 = arith.constant 0 : i32
    %c0_i32_0 = arith.constant 0 : i32
    return %arg0, %c0_i32 : i32, i32
  }
}

</mosaic_0001>

<sc_bundles>
// kernel: kernel.5.cloned.1.call-start
scs
__scs_entry_jumppad:
0x0: {  	(pc) =	sbr.rel $0x88, $3  }
0x1: {  	(tag) =	ssettag $0x0;
	lr =	simm.s32 $0x1  }
0x2: {  	[smem:$0x3F9D] =	sst lr;
	_ =	strace $0xD0000000  }
0x3: {  	_ = 	snop  }
0x4: {  	_ = 	snop  }
0x5: {  	_ = 	snop  }
0x6: {  	_ = 	snop  }
0x7: {  	_ = 	snop  }
__scs_overlays_trampoline_lowered:
0x8: {  	[smem:$0x3FAC] =	sst s0  }
0x9: {  	[smem:$0x3FAD] =	sst s1  }
0xa: {  	[smem:$0x3FAE] =	sst s2  }
0xb: {  	[smem:$0x3FAF] =	sst s3  }
0xc: {  	[smem:$0x3FB0] =	sst s4  }
0xd: {  	[smem:$0x3FB1] =	sst s5  }
0xe: {  	[smem:$0x3FB2] =	sst s6  }
0xf: {  	[smem:$0x3FB3] =	sst s7  }
0x10: {  	[smem:$0x3FB4] =	sst s8  }
0x11: {  	[smem:$0x3FB5] =	sst s9;
	s0 =	simm.s32 @!p0 $0x0  }
0x12: {  	s1 =	sld [smem:$0x3F9B];
	s0 =	simm.s32 @p0 $0x1  }
0x13: {  	[smem:$0x3FB6] =	sst s0;
	s0 =	simm.s32 @!p1 $0x0  }
0x14: {  	s2 =	sld [smem:$0x3F9A];
	s0 =	simm.s32 @p1 $0x1  }
0x15: {  	[smem:$0x3FB7] =	sst s0;
	s0 =	simm.s32 @!p2 $0x0  }
0x16: {  	s3 =	sld [smem:$0x3FDB];
	s0 =	simm.s32 @p2 $0x1  }
0x17: {  	s4 =	simm.s32 $0x1BF5;
	[smem:$0x3FB9] =	sst s0  }
0x18: {  	s0 =	sld [smem:$0x3F9C];
	_ =	swait.ge [sflag:s4], $0x0  }
0x19: {  	s7 =	sld [smem:$0x3F9D]  }
0x1a: {  	s8 =	sadd.s32 $0xFFFFE003, lr  }
0x1b: {  	s9 =	sadd.s32 $0xFFFFFEF7, lr;
	s5 =	simm.s32 $0xFFFFFFFF;
	p2 =	slt.u32 s8, $0xFFFFF086  }
0x1c: {  	p1 =	slt.u32 s9, $0xF7A;
	s5 =	simm.s32 @!p2 $0x0  }
0x1d: {  	s5 =	simm.s32 @p1 $0x1;
	p0 =	seq.s32 s7, s2  }
0x1e: {  	s7 =	smul.u32 @!p0 $0xF7A, s2;
	p2 =	seq.s32 @!p0 s5, $0x0  }
0x1f: {  	s9 =	smul.u32 $0xF7A, s1;
	s8 =	simm.s32 @!p0 $0x1BF5;
	p2 =	por !p2, p0  }
0x20: {  	[sflag:s8] =	ssyncset.s32 @!p0 $0xFFFFF086;
	s6 =	sadd.s32 @!p0 s3, s7;
	s7 =	simm.s32 @!p0 $0x108  }
0x21: {  	s3 =	sadd.s32 s3, s9;
	s6 =	sadd.s32 @!p0 $0x88, s6;
	s7 =	simm.s32 @p2 $0x1082  }
0x22: {  	[simem:s7], [sflag:s8] =	dma.local @!p0 [hbm:s6], $0xF7A  }
0x23: {  	s9 =	sor.u32 $0xD0000000, s2;
	s6 =	simm.s32 $0x108;
	_ =	swait.ge @!p0 [sflag:s8], $0x0  }
0x24: {  	s3 =	sadd.s32 $0x88, s3;
	s6 =	simm.s32 @!p1 $0x1082;
	[sflag:s4] =	ssyncset.s32 $0xFFFFF086  }
0x25: {  	[simem:s6], [sflag:s4] =	dma.local [hbm:s3], $0xF7A  }
0x26: {  	[smem:$0x3F9D] =	sst s1;
	(tag) =	ssettag s2;
	_ =	strace s9  }
0x27: {  	s1 =	sld [smem:$0x3FAD]  }
0x28: {  	s2 =	sld [smem:$0x3FAE]  }
0x29: {  	s4 =	sld [smem:$0x3FB0]  }
0x2a: {  	p0 =	seq.s32 s5, $0x0;
	s5 =	sld [smem:$0x3FB1]  }
0x2b: {  	s6 =	sld [smem:$0x3FB2]  }
0x2c: {  	s7 =	sld [smem:$0x3FB3]  }
0x2d: {  	s3 =	simm.s32 $0x108;
	s8 =	sld [smem:$0x3FB4]  }
0x2e: {  	s3 =	simm.s32 @!p0 $0x1082;
	s9 =	sld [smem:$0x3FB5]  }
0x2f: {  	lr =	sadd.s32 s0, s3;
	s0 =	sld [smem:$0x3FAC]  }
0x30: {  	s3 =	sld [smem:$0x3FAF]  }
0x31: {  	[smem:$0x3FB8] =	sst s10  }
0x32: {  	s10 =	sld [smem:$0x3FB6];
	_ =	sdelay $0x3  }
0x33: {  	p0 =	seq.s32 s10, $0x1;
	s10 =	sld [smem:$0x3FB8];
	_ =	sdelay $0x3  }
0x34: {  	[smem:$0x3FB8] =	sst s10  }
0x35: {  	s10 =	sld [smem:$0x3FB7];
	_ =	sdelay $0x3  }
0x36: {  	p1 =	seq.s32 s10, $0x1;
	s10 =	sld [smem:$0x3FB8];
	_ =	sdelay $0x3  }
0x37: {  	[smem:$0x3FB8] =	sst s10  }
0x38: {  	s10 =	sld [smem:$0x3FB9]  }
0x39: {  	_ = 	snop;
	(pc) =	sbr.ind lr, $3  }
0x3a: {  	_ = 	snop  }
0x3b: {  	_ = 	snop  }
0x3c: {  	p2 =	seq.s32 s10, $0x1;
	s10 =	sld [smem:$0x3FB8]  }
0x3d: {  	_ =	shalt  }
0x3e: {  	_ =	shalt  }
0x3f: {  	_ =	shalt  }
0x40: {  	_ =	shalt  }
0x41: {  	_ =	shalt  }
0x42: {  	_ =	shalt  }
0x43: {  	_ =	shalt  }
0x44: {  	_ =	shalt  }
0x45: {  	_ =	shalt  }
0x46: {  	_ =	shalt  }
0x47: {  	_ =	shalt  }
0x48: {  	_ =	shalt  }
0x49: {  	_ =	shalt  }
0x4a: {  	_ =	shalt  }
0x4b: {  	_ =	shalt  }
0x4c: {  	_ =	shalt  }
0x4d: {  	_ =	shalt  }
0x4e: {  	_ =	shalt  }
0x4f: {  	_ =	shalt  }
0x50: {  	_ =	shalt  }
0x51: {  	_ =	shalt  }
0x52: {  	_ =	shalt  }
0x53: {  	_ =	shalt  }
0x54: {  	_ =	shalt  }
0x55: {  	_ =	shalt  }
0x56: {  	_ =	shalt  }
0x57: {  	_ =	shalt  }
0x58: {  	_ =	shalt  }
0x59: {  	_ =	shalt  }
0x5a: {  	_ =	shalt  }
0x5b: {  	_ =	shalt  }
0x5c: {  	_ =	shalt  }
0x5d: {  	_ =	shalt  }
0x5e: {  	_ =	shalt  }
0x5f: {  	_ =	shalt  }
0x60: {  	_ =	shalt  }
0x61: {  	_ =	shalt  }
0x62: {  	_ =	shalt  }
0x63: {  	_ =	shalt  }
0x64: {  	_ =	shalt  }
0x65: {  	_ =	shalt  }
0x66: {  	_ =	shalt  }
0x67: {  	_ =	shalt  }
0x68: {  	_ =	shalt  }
0x69: {  	_ =	shalt  }
0x6a: {  	_ =	shalt  }
0x6b: {  	_ =	shalt  }
0x6c: {  	_ =	shalt  }
0x6d: {  	_ =	shalt  }
0x6e: {  	_ =	shalt  }
0x6f: {  	_ =	shalt  }
0x70: {  	_ =	shalt  }
0x71: {  	_ =	shalt  }
0x72: {  	_ =	shalt  }
0x73: {  	_ =	shalt  }
0x74: {  	_ =	shalt  }
0x75: {  	_ =	shalt  }
0x76: {  	_ =	shalt  }
0x77: {  	_ =	shalt  }
0x78: {  	_ =	shalt  }
0x79: {  	_ =	shalt  }
0x7a: {  	_ =	shalt  }
0x7b: {  	_ =	shalt  }
0x7c: {  	_ =	shalt  }
0x7d: {  	_ =	shalt  }
0x7e: {  	_ =	shalt  }
0x7f: {  	_ =	shalt  }
0x80: {  	_ =	shalt  }
0x81: {  	_ =	shalt  }
0x82: {  	_ =	shalt  }
0x83: {  	_ =	shalt  }
0x84: {  	_ =	shalt  }
0x85: {  	_ =	shalt  }
0x86: {  	_ =	shalt  }
0x87: {  	_ =	shalt  }
.Lfunc_end0:
.L_simem_size_0:
called_computation_lowered:
.L_overlay_start_0:
0x88: {  	s2 =	sld [smem:$0x3FD9]  }
0x89: {  	s3 =	sld [smem:$0x3FFE];
	_ =	sdelay $0x1  }
0x8a: {  	s1 =	srdreg.scid  }
0x8b: {  	s0 =	sand.u32 $0x1, s1  }
0x8c: {  	s14 =	sshll.u32 s0, $0xA;
	s2 =	sadd.s32 s3, s2  }
0x8d: {  	s2 =	sadd.s32 s2, s14  }
0x8e: {  	[smem:$0x3FC4] =	sst s2  }
0x8f: {  	_ = 	snop  }
0x90: {  	s2 =	sld [smem:$0x3FD0];
	_ =	sdelay $0x1  }
0x91: {  	s15 =	sld [smem:$0x3FC7]  }
0x92: {  	s5 =	simm.s32 $0xA;
	s6 =	simm.s32 $0x10;
	s4 =	sld [smem:$0x3FC6]  }
0x93: {  	[smem:s6], [sflag:s5] =	dma.local [hbm:s2], $0x1  }
0x94: {  	_ =	swait.eq [sflag:s5], $0x1  }
0x95: {  	[sflag:s5] =	ssyncset.done $0x0  }
0x96: {  	s16 =	sld [smem:$0x10];
	[sflag:s5] =	ssyncadd.s32 $0xFFFFFFFF  }
0x97: {  	s17 =	sld [smem:$0x11];
	(tm) =	ssettm $0x1  }
0x98: {  	s18 =	sld [smem:$0x3FFB];
	_ =	sdelay $0x3  }
0x99: {  	_ =	strace s18  }
0x9a: {  	s6 =	sld [smem:$0x3FFC];
	_ =	sdelay $0x3  }
0x9b: {  	_ =	strace s6  }
0x9c: {  	s6 =	sld [smem:$0x3FFD];
	_ =	sdelay $0x3  }
0x9d: {  	_ =	strace s6  }
0x9e: {  	_ =	strace $0x8FFFFFFF  }
0x9f: {  	s19 =	sld [smem:$0x3FDB];
	_ =	sdelay $0x1  }
0xa0: {  	s7 =	simm.s32 $_scs_section_size  }
0xa1: {  	s8 =	simm.s32 $_size__tile_overlayer_lowered;
	s9 =	simm.s32 $_tile_overlayer_lowered  }
0xa2: {  	s22 =	simm.s32 $0x1BFF;
	s21 =	sshll.u32 s9, $0x1;
	s6 =	sadd.s32 s7, s19  }
0xa3: {  	s10 =	simm.s32 $0x0;
	s20 =	sshll.u32 s8, $0x1;
	s8 =	sadd.s32 s21, s6  }
0xa4: {  	[timem:s10], [sflag:s22] =	dma.local [hbm:s8], s20  }
0xa5: {  	_ =	swait.ge [sflag:s22], s20  }
0xa6: {  	s7 =	ssub.s32 $0x0, s20;
	[sflag:s22] =	ssyncset.done $0x0  }
0xa7: {  	[sflag:s22] =	ssyncadd.s32 s7;
	_ =	sdelay $0x1  }
0xa8: {  	s23 =	simm.s32 $0x1B8B  }
0xa9: {  	_ =	swait.ge [sflag:s23], $0x1  }
0xaa: {  	[sflag:s23] =	ssyncset.done $0x0  }
0xab: {  	s25 =	simm.s32 $0x1B8E;
	s24 =	sld [smem:$0x3FFE];
	[sflag:s23] =	ssyncadd.s32 $0xFFFFFFFF  }
0xac: {  	s26 =	simm.s32 $execute0_lowered;
	[smem:$0x3FD2] =	sst s25  }
0xad: {  	s8 =	sshll.u32 s26, $0x1;
	_ =	strace $0x80000046;
	[dreg:$0x1] =	wrdreg $0xFFFFFFFF  }
0xae: {  	s28 =	simm.s32 $_size_execute0_lowered;
	s6 =	sadd.s32 s6, s8;
	[dreg:$0x0] =	wrdreg $0x0  }
0xaf: {  	s8 =	sshll.u32 s28, $0x1;
	[dreg:$0x2] =	wrdreg s6  }
0xb0: {  	[dreg:$0x3] =	wrdreg s8  }
0xb1: {  	[dreg:$0x4] =	wrdreg $0xC0  }
0xb2: {  	_ =	task [dreg:s10], $0x5FFFF  }
0xb3: {  	[dreg:$0x1] =	wrdreg $0xFFFFFFFF  }
0xb4: {  	[dreg:$0x0] =	wrdreg $0x60  }
0xb5: {  	[dreg:$0x2] =	wrdreg s16  }
0xb6: {  	[dreg:$0x3] =	wrdreg s15  }
0xb7: {  	[dreg:$0x4] =	wrdreg s4  }
0xb8: {  	[dreg:$0x5] =	wrdreg s24  }
0xb9: {  	[dreg:$0x6] =	wrdreg s17  }
0xba: {  	[dreg:$0x7] =	wrdreg $0x9  }
0xbb: {  	_ =	task.clear_ibuf [dreg:s10], $0x8FFFF;
	_ =	strace $0x90000046  }
0xbc: {  	s29 =	simm.s32 $0x9;
	_ =	strace $0x80000048  }
0xbd: {  	_ =	swait.ge [sflag:s29], $0x1  }
0xbe: {  	[sflag:s29] =	ssyncadd.s32 $0xFFFFFFFF  }
0xbf: {  	_ =	strace $0x90000048  }
0xc0: {  	_ =	sfence  }
0xc1: {  	s30 =	sld [smem:$0x0];
	_ =	sdelay $0x2  }
0xc2: {  	s31 =	sshll.u32 s1, $0xD;
	s1 =	sshrl.u32 s1, $0x2  }
0xc3: {  	s3 =	sand.u32 $0x4000, s31;
	s1 =	sadd.s32 s1, s30  }
0xc4: {  	s0 =	sor.u32 s3, s0;
	s1 =	sshll.u32 s1, $0x11  }
0xc5: {  	s0 =	sor.u32 s1, s0  }
0xc6: {  	s0 =	sadd.s32 $0x8F2B, s0  }
0xc7: {  	[sflag:s0] =	ssyncadd.remote.s32 $0x1  }
0xc8: {  	_ =	sfence.sel $0xFFFF  }
0xc9: {  	[dreg:$0x0] =	wrdreg $0xFFFFFFFF;
	(pc) =	sbr.abs _section_cstart, $3  }
0xca: {  	[dreg:$0x1] =	wrdreg $0xFFFFFFFF  }
0xcb: {  	_ =	task.clear_ibuf [dreg:s10], $0x2FFFF;
	_ =	strace $0x9FFFFFFF  }
0xcc: {  	(tm) =	ssettm $0x7FFFFFFF  }
0xcd: {  	_ =	shalt  }
tec
execute0_lowered:
.L_overlay_start_1:
0x0: {  	(tag) =	ssettag $0x1  }
0x1: {  	s1 =	rddreg [dreg:$0x0]  }
0x2: {  	s2 =	rddreg [dreg:$0x1]  }
0x3: {  	s3 =	rddreg [dreg:$0x2]  }
0x4: {  	s6 =	rddreg [dreg:$0x3]  }
0x5: {  	s8 =	rddreg [dreg:$0x4]  }
0x6: {  	s0 =	rddreg [dreg:$0x5]  }
0x7: {  	s7 =	srdreg.scid;
	s4 =	stileid.u32  }
0x8: {  	s5 =	simm.s32 $0x0;
	s13 =	simm.s32 $0x1A800;
	s14 =	simm.s32 $0x1B800  }
0x9: {  	s15 =	simm.s32 $0x1B000;
	s16 =	simm.s32 $0x8000;
	s17 =	simm.s32 $0x0  }
0xa: {  	s7 =	sand.u32 $0x1, s7;
	s9 =	sshll.u32 s4, $0x1;
	[smem:$0x7FF] =	sst s5  }
0xb: {  	s9 =	sor.u32 s7, s9;
	s7 =	ssub.s32 $0x2, s7;
	_ =	strace $0x80000047  }
0xc: {  	s10 =	sshll.u32 s9, $0xD;
	s11 =	sshrl.u32 s7, $0x1;
	s12 =	sshll.u32 s9, $0x4  }
0xd: {  	s10 =	sadd.s32 s10, s6;
	s11 =	ssub.s32 s7, s11;
	s6 =	sshll.u32 s9, $0xF  }
0xe: {  	s8 =	sadd.s32 s8, s12;
	s12 =	simm.s32 $0x19000;
	s7 =	sadd.s32 $0xC00, s10  }
0xf: {  	v0 =	vimm.s32 $0x0;
	v1 =	vlaneseq.u32;
	s9 =	smax.u32 s11, $0x1;
	s10 =	simm.s32 $0x1;
	s11 =	simm.s32 $0x18800  }
.LBB2_1:
0x10: {  	s18 =	simm.s32 $0x40;
	s19 =	simm.s32 $0x0  }
.LBB2_2:
0x11: {  	p0 =	sne.s32 s18, $0x1FC0;
	[tilespmem:s19+$0x1A800] =	vst v0;
	s19 =	smov.u32 s18;
	s18 =	sadd.s32 $0x40, s18  }
.Ltmp0:
0x12: {  	(pc) =	sbr.rel @p0 .LBB2_2-.Ltmp0, $2  }
0x13: {  	_ =	sdelay $0x2  }
0x14: {  	s19 =	sshra.s32 s19, $0x2  }
0x15: {  	[tilespmem:s19+$0x1A800] =	vst v0;
	s18 =	simm.s32 $0x0;
	s19 =	simm.s32 $0x0  }
.LBB2_4:
0x16: {  	s20 =	sshll.u32 s19, $0xB  }
0x17: {  	s21 =	sor.u32 s6, s20  }
0x18: {  	s22 =	sshrl.u32 s21, $0x3  }
0x19: {  	s21 =	simm.s32 $0x18000;
	s23 =	sadd.s32 s1, s22  }
0x1a: {  	[tilespmem:s21], [sflag:$0x1] =	stream.linear.gather [hbm4b:s23+s18], $0x800, $0x38;
	[tilespmem:$0x1B880] =	vst v63  }
0x1b: {  	_ =	swait.ge [sflag:s10], $0x800  }
0x1c: {  	s28 =	sor.u32 $0x20000, s22;
	[sflag:s10] =	ssyncset.done $0x0  }
0x1d: {  	s23 =	sadd.s32 s1, s28;
	[sflag:s10] =	ssyncadd.s32 $0xFFFFF800  }
0x1e: {  	[tilespmem:s11], [sflag:$0x1] =	stream.linear.gather [hbm4b:s23+s18], $0x800, $0x38;
	[tilespmem:$0x1B880] =	vst v63  }
0x1f: {  	_ =	swait.ge [sflag:s10], $0x800  }
0x20: {  	s29 =	sor.u32 $0x40000, s22;
	[sflag:s10] =	ssyncset.done $0x0  }
0x21: {  	s23 =	sadd.s32 s1, s29;
	[sflag:s10] =	ssyncadd.s32 $0xFFFFF800  }
0x22: {  	[tilespmem:s12], [sflag:$0x1] =	stream.linear.gather [hbm4b:s23+s18], $0x800, $0x38;
	[tilespmem:$0x1B880] =	vst v63  }
0x23: {  	_ =	swait.ge [sflag:s10], $0x800  }
0x24: {  	[sflag:s10] =	ssyncset.done $0x0  }
0x25: {  	s30 =	sadd.s32 s2, s22;
	s22 =	simm.s32 $0x19800;
	[sflag:s10] =	ssyncadd.s32 $0xFFFFF800  }
0x26: {  	[tilespmem:s22], [sflag:$0x1] =	stream.linear.gather [hbm4b:s30+s18], $0x800, $0x38;
	[tilespmem:$0x1B880] =	vst v63  }
0x27: {  	_ =	swait.ge [sflag:s10], $0x800  }
0x28: {  	[sflag:s10] =	ssyncset.done $0x0  }
0x29: {  	[sflag:s10] =	ssyncadd.s32 $0xFFFFF800  }
0x2a: {  	v2 =	vld [tilespmem:s21+$0x0];
	_ =	sdelay $0x3  }
0x2b: {  	s31 =	sand.u32 $0x780, s18;
	s24 =	sand.u32 $0x70, s18  }
0x2c: {  	s25 =	sor.u32 s24, s31;
	v2 =	vmul.f32 $1.280000000e+02, v2  }
0x2d: {  	v3 =	vld [tilespmem:s25+$0x18800]  }
0x2e: {  	v4 =	vld [tilespmem:s25+$0x19000];
	v2 =	vtrunc.f32 v2  }
0x2f: {  	v5 =	vld [tilespmem:s22+$0x0];
	v2 =	vcvt.f32.s32 v2;
	_ =	sdelay $0x1  }
0x30: {  	vm0 =	vgt.s32 v2, $0x0  }
0x31: {  	v3 =	vmul.f32 $1.280000000e+02, v3;
	v2 =	vnsel vm0, $0x0, v2  }
0x32: {  	v4 =	vmul.f32 $1.280000000e+02, v4;
	v2 =	vmin.u32 v2, $0x7F  }
0x33: {  	v5 =	vshll.u32 v5, $0x15;
	v3 =	vtrunc.f32 v3;
	v6 =	vshll.u32 v2, $0xE  }
0x34: {  	v4 =	vtrunc.f32 v4;
	v3 =	vcvt.f32.s32 v3;
	v5 =	vor.u32 v5, v6  }
0x35: {  	v4 =	vcvt.f32.s32 v4;
	v2 =	vshll.u32 v2, $0x2;
	v6 =	vshrl.u32 v5, $0xC  }
0x36: {  	vm14 =	vgt.s32 v3, $0x0;
	v2 =	vand.u32 $0x70, v2;
	v6 =	vand.u32 $0xFFF80, v6  }
0x37: {  	vm15 =	vgt.s32 v4, $0x0;
	v3 =	vnsel vm14, $0x0, v3;
	v2 =	vor.u32 v6, v2  }
0x38: {  	v4 =	vnsel vm15, $0x0, v4;
	v3 =	vmin.u32 v3, $0x7F;
	v2 =	vor.u32 v1, v2  }
0x39: {  	v4 =	vmin.u32 v4, $0x7F;
	v3 =	vshll.u32 v3, $0x7  }
0x3a: {  	s23 =	sadd.s32 s31, s20;
	v3 =	vor.u32 v4, v3  }
0x3b: {  	s23 =	sadd.s32 s24, s23;
	v3 =	vor.u32 v5, v3  }
0x3c: {  	[tilespmem:s23+$0x0] =	vst v3  }
0x3d: {  	v3 =	vld.idx.msk [tilespmem:v2+s13+$0x0], $0xffff;
	_ =	sdelay $0x4  }
0x3e: {  	s23 =	simm.s32 $0x10;
	v3 =	vadd.s32 $0x1, v3  }
.LBB2_5:
0x3f: {  	p0 =	sne.s32 s23, $0x7F0;
	[tilespmem:v2+s13+$0x0] =	vst.idx.msk $0xffff, v3;
	s21 =	sadd.s32 $0x10, s21;
	s22 =	sadd.s32 $0x10, s22  }
0x40: {  	s24 =	smov.u32 s23;
	s23 =	sadd.s32 $0x10, s23;
	v2 =	vld [tilespmem:s21+$0x0];
	_ =	sdelay $0x3  }
0x41: {  	s25 =	sand.u32 $0x780, s24;
	s24 =	sand.u32 $0x70, s24  }
0x42: {  	s26 =	sor.u32 s24, s25;
	s25 =	sadd.s32 s25, s20;
	v2 =	vmul.f32 $1.280000000e+02, v2  }
0x43: {  	s24 =	sadd.s32 s24, s25;
	v3 =	vld [tilespmem:s26+$0x18800]  }
0x44: {  	v4 =	vld [tilespmem:s26+$0x19000];
	v2 =	vtrunc.f32 v2  }
0x45: {  	v5 =	vld [tilespmem:s22+$0x0];
	v2 =	vcvt.f32.s32 v2;
	_ =	sdelay $0x1  }
0x46: {  	vm0 =	vgt.s32 v2, $0x0  }
0x47: {  	v2 =	vnsel vm0, $0x0, v2;
	v3 =	vmul.f32 $1.280000000e+02, v3  }
0x48: {  	v2 =	vmin.u32 v2, $0x7F;
	v4 =	vmul.f32 $1.280000000e+02, v4  }
0x49: {  	v3 =	vtrunc.f32 v3;
	v5 =	vshll.u32 v5, $0x15;
	v6 =	vshll.u32 v2, $0xE  }
0x4a: {  	v3 =	vcvt.f32.s32 v3;
	v4 =	vtrunc.f32 v4;
	v5 =	vor.u32 v5, v6  }
0x4b: {  	v2 =	vshll.u32 v2, $0x2;
	v4 =	vcvt.f32.s32 v4;
	v6 =	vshrl.u32 v5, $0xC  }
0x4c: {  	v2 =	vand.u32 $0x70, v2;
	vm0 =	vgt.s32 v3, $0x0;
	v6 =	vand.u32 $0xFFF80, v6  }
0x4d: {  	v3 =	vnsel vm0, $0x0, v3;
	vm0 =	vgt.s32 v4, $0x0;
	v2 =	vor.u32 v6, v2  }
0x4e: {  	v3 =	vmin.u32 v3, $0x7F;
	v4 =	vnsel vm0, $0x0, v4;
	v2 =	vor.u32 v1, v2  }
0x4f: {  	v4 =	vmin.u32 v4, $0x7F;
	v3 =	vshll.u32 v3, $0x7  }
0x50: {  	v3 =	vor.u32 v4, v3  }
0x51: {  	v3 =	vor.u32 v5, v3  }
0x52: {  	[tilespmem:s24+$0x0] =	vst v3  }
0x53: {  	v3 =	vld.idx.msk [tilespmem:v2+s13+$0x0], $0xffff;
	_ =	sdelay $0x1  }
.Ltmp1:
0x54: {  	(pc) =	sbr.rel @p0 .LBB2_5-.Ltmp1, $2  }
0x55: {  	_ =	sdelay $0x2  }
0x56: {  	v3 =	vadd.s32 $0x1, v3  }
0x57: {  	s19 =	sadd.s32 $0x1, s19  }
0x58: {  	p0 =	sne.s32 s19, $0x10  }
.Ltmp2:
0x59: {  	_ = 	snop;
	(pc) =	sbr.rel @p0 .LBB2_4-.Ltmp2, $2  }
0x5a: {  	_ =	sdelay $0x2  }
0x5b: {  	[tilespmem:v2+s13+$0x0] =	vst.idx.msk $0xffff, v3  }
0x5c: {  	s18 =	simm.s32 $0x1A800  }
0x5d: {  	v2 =	vld [tilespmem:s18+$0x0];
	_ =	sdelay $0x4  }
0x5e: {  	(xrf0) =	vadd.scan.msk.s32 $0xffff, v2;
	_ =	sdelay $0x4  }
0x5f: {  	s18 =	simm.s32 $0x0  }
0x60: {  	v3 =	vmov s18;
	v4, _, _ =	vpop (xrf0)  }
0x61: {  	(v2sf) =	vpush v4, $0xF  }
0x62: {  	v2 =	vsub.s32 s18, v2  }
0x63: {  	s19 =	simm.s32 $0x1B000;
	v5 =	vbroadcast v4, $0xF;
	v2 =	vadd.s32 v4, v2  }
0x64: {  	[tilespmem:s19+$0x0] =	vst v2  }
0x65: {  	s22 =	simm.s32 $0x1A810;
	[tilespmem:v3+s14+$0x0] =	vst.idx.msk $0x1, v5  }
0x66: {  	s20 =	simm.s32 $0x1;
	s23 =	simm.s32 $0x2;
	s21 =	simm.s32 $0x0;
	v2 =	vld [tilespmem:s22+$0x0]  }
.LBB2_8:
0x67: {  	p0 =	sne.s32 s23, $0x7F;
	_ =	sdelay $0x3  }
0x68: {  	(xrf0) =	vadd.scan.msk.s32 $0xffff, v2;
	_ =	sdelay $0x4  }
0x69: {  	v3 =	vmov s20;
	s20 =	smov.u32 s23;
	s24 =	spop (v2sf)  }
0x6a: {  	v4, _, _ =	vpop (xrf0);
	s21 =	sadd.s32 s21, s24  }
0x6b: {  	v2 =	vsub.s32 s21, v2;
	v5 =	vbroadcast v4, $0xF;
	(v2sf) =	vpush v4, $0xF  }
.Ltmp3:
0x6c: {  	s19 =	sadd.s32 $0x10, s19;
	v2 =	vadd.s32 v4, v2;
	(pc) =	sbr.rel @p0 .LBB2_8-.Ltmp3, $4  }
0x6d: {  	[tilespmem:s19+$0x0] =	vst v2  }
0x6e: {  	[tilespmem:v3+s14+$0x0] =	vst.idx.msk $0x1, v5  }
0x6f: {  	s22 =	sadd.s32 $0x10, s22  }
0x70: {  	s23 =	sadd.s32 $0x1, s23;
	v2 =	vld [tilespmem:s22+$0x0]  }
0x71: {  	_ =	sdelay $0x3  }
0x72: {  	(xrf0) =	vadd.scan.msk.s32 $0xffff, v2;
	_ =	sdelay $0x5  }
0x73: {  	v3, _, _ =	vpop (xrf0)  }
0x74: {  	(v2sf) =	vpush v3, $0xF;
	_ =	sdelay $0x9  }
0x75: {  	v4 =	vmov s20;
	s30 =	spop (v2sf)  }
0x76: {  	s20 =	sadd.s32 s21, s30  }
0x77: {  	v2 =	vsub.s32 s20, v2  }
0x78: {  	s19 =	sadd.s32 $0x10, s19;
	v5 =	vbroadcast v3, $0xF;
	v2 =	vadd.s32 v3, v2  }
0x79: {  	[tilespmem:s19+$0x0] =	vst v2  }
0x7a: {  	[tilespmem:v4+s14+$0x0] =	vst.idx.msk $0x1, v5;
	s31 =	spop (v2sf)  }
.LBB2_10:
0x7b: {  	s20 =	sshll.u32 s18, $0xB  }
0x7c: {  	s19 =	sor.u32 s6, s20  }
0x7d: {  	s19 =	sshrl.u32 s19, $0x3  }
0x7e: {  	s22 =	simm.s32 $0x0;
	s21 =	sadd.s32 s3, s19;
	s19 =	simm.s32 $0x1A000  }
0x7f: {  	[tilespmem:s19], [sflag:$0x1] =	stream.linear.gather [hbm4b:s21+s22], $0x800, $0x38;
	[tilespmem:$0x1B880] =	vst v63  }
0x80: {  	s30 =	sand.u32 $0x780, s22;
	_ =	swait.ge [sflag:s10], $0x800  }
0x81: {  	s22 =	sand.u32 $0x70, s22;
	s21 =	sadd.s32 s30, s20;
	[sflag:s10] =	ssyncset.done $0x0  }
0x82: {  	s21 =	sadd.s32 s22, s21;
	[sflag:s10] =	ssyncadd.s32 $0xFFFFF800  }
0x83: {  	v4 =	vld [tilespmem:s21+$0x0];
	_ =	sdelay $0x4  }
0x84: {  	v2 =	vshrl.u32 v4, $0xC  }
0x85: {  	v2 =	vand.u32 $0xFFFF0, v2  }
0x86: {  	v3 =	vor.u32 v1, v2;
	_ =	sdelay $0x4  }
0x87: {  	v5 =	vld.idx.msk [tilespmem:v3+s15+$0x0], $0xffff;
	_ =	sdelay $0x4  }
0x88: {  	v6 =	vshll.u32 v5, $0x1  }
0x89: {  	v5 =	vadd.s32 $0x1, v5  }
0x8a: {  	v2 =	vld [tilespmem:s19+$0x0];
	[tilespmem:v3+s15+$0x0] =	vst.idx.msk $0xffff, v5;
	v3 =	vor.u32 $0x1, v6  }
0x8b: {  	s31 =	simm.s32 $0x10  }
0x8c: {  	s23 =	sand.u32 $0x780, s31  }
0x8d: {  	s23 =	sadd.s32 s23, s20;
	s22 =	sand.u32 $0x70, s31;
	s21 =	simm.s32 $0x20;
	[tilespmem:v6+s16+$0x0] =	vst.idx.msk $0xffff, v4  }
.LBB2_11:
0x8e: {  	s22 =	sadd.s32 s22, s23  }
0x8f: {  	[tilespmem:v3+s16+$0x0] =	vst.idx.msk $0xffff, v2;
	s19 =	sadd.s32 $0x10, s19;
	s23 =	smov.u32 s21;
	s24 =	sadd.s32 $0x10, s21  }
0x90: {  	p0 =	sne.s32 s21, $0x7F0;
	v4 =	vld [tilespmem:s22+$0x0];
	_ =	sdelay $0x4  }
0x91: {  	v2 =	vshrl.u32 v4, $0xC  }
0x92: {  	v2 =	vand.u32 $0xFFFF0, v2  }
0x93: {  	v3 =	vor.u32 v1, v2;
	_ =	sdelay $0x4  }
0x94: {  	v5 =	vld.idx.msk [tilespmem:v3+s15+$0x0], $0xffff;
	_ =	sdelay $0x5  }
0x95: {  	v6 =	vadd.s32 $0x1, v5;
	v5 =	vshll.u32 v5, $0x1;
	v2 =	vld [tilespmem:s19+$0x0]  }
.Ltmp4:
0x96: {  	[tilespmem:v3+s15+$0x0] =	vst.idx.msk $0xffff, v6;
	v3 =	vor.u32 $0x1, v5;
	(pc) =	sbr.rel @p0 .LBB2_11-.Ltmp4, $3  }
0x97: {  	_ =	sdelay $0x1  }
0x98: {  	s21 =	sand.u32 $0x780, s23  }
0x99: {  	s22 =	sand.u32 $0x70, s23;
	s23 =	sadd.s32 s21, s20;
	s21 =	smov.u32 s24;
	[tilespmem:v5+s16+$0x0] =	vst.idx.msk $0xffff, v4  }
0x9a: {  	_ =	sdelay $0x3  }
0x9b: {  	s20 =	sadd.s32 s22, s23;
	[tilespmem:v3+s16+$0x0] =	vst.idx.msk $0xffff, v2  }
0x9c: {  	v2 =	vld [tilespmem:s20+$0x0];
	_ =	sdelay $0x4  }
0x9d: {  	v3 =	vshrl.u32 v2, $0xC  }
0x9e: {  	v3 =	vand.u32 $0xFFFF0, v3  }
0x9f: {  	v3 =	vor.u32 v1, v3;
	_ =	sdelay $0x4  }
0xa0: {  	v4 =	vld.idx.msk [tilespmem:v3+s15+$0x0], $0xffff;
	_ =	sdelay $0x4  }
0xa1: {  	s19 =	sadd.s32 $0x10, s19;
	s18 =	sadd.s32 $0x1, s18;
	v5 =	vshll.u32 v4, $0x1  }
0xa2: {  	v6 =	vld [tilespmem:s19+$0x0];
	p0 =	sne.s32 s18, $0x10;
	v7 =	vor.u32 $0x1, v5  }
.Ltmp5:
0xa3: {  	_ = 	snop;
	(pc) =	sbr.rel @p0 .LBB2_10-.Ltmp5, $4  }
0xa4: {  	v4 =	vadd.s32 $0x1, v4  }
0xa5: {  	[tilespmem:v3+s15+$0x0] =	vst.idx.msk $0xffff, v4  }
0xa6: {  	[tilespmem:v5+s16+$0x0] =	vst.idx.msk $0xffff, v2  }
0xa7: {  	[tilespmem:v7+s16+$0x0] =	vst.idx.msk $0xffff, v6  }
0xa8: {  	[hbm4b:s7+s5] =	stream.linear.scatter [tilespmem:s16], [sflag:$0x1], $0x10000, $0x38;
	[tilespmem:$0x1B880] =	vst v63  }
0xa9: {  	s17 =	sadd.s32 $0x1, s17;
	_ =	swait.ge [sflag:s10], $0x10000  }
0xaa: {  	p0 =	sne.s32 s17, s9;
	[sflag:s10] =	ssyncset.done $0x0  }
.Ltmp6:
0xab: {  	[sflag:s10] =	ssyncadd.s32 $0xFFFF0000;
	(pc) =	sbr.rel @p0 .LBB2_1-.Ltmp6, $4  }
0xac: {  	[hbm4b:s8+s5] =	stream.linear.scatter [tilespmem:s14], [sflag:$0x1], $0x80, $0x38;
	[tilespmem:$0x1B880] =	vst v63  }
0xad: {  	_ =	swait.ge [sflag:s10], $0x80  }
0xae: {  	[sflag:s10] =	ssyncset.done $0x0  }
0xaf: {  	[sflag:s10] =	ssyncadd.s32 $0xFFFFFF80  }
0xb0: {  	_ =	sfence.sel $0x180000  }
0xb1: {  	[bflag:$0x0] =	sbarrier.arrive $0xFFFF  }
0xb2: {  	p0 =	sne.s32 s4, $0x0;
	_ =	strace $0x90000047  }
0xb3: {  	s0 =	sadd.s32 @!p0 $0x100000, s0;
	[bflag:$0x2] =	sbarrier.arrive $0xFFFF  }
0xb4: {  	[sflag:s0] =	ssyncadd.tile.s32 @!p0 $0x1;
	_ =	shalt  }
.Lfunc_end2:
_tile_overlayer_lowered:
.L_overlay_start_2:
0xb5: {  	(tag) =	ssettag $0x2  }
0xb6: {  	s0 =	rddreg [dreg:$0x0];
	s2 =	stileid.u32  }
0xb7: {  	s1 =	rddreg [dreg:$0x1];
	p0 =	sne.s32 s2, $0x0  }
0xb8: {  	s3 =	rddreg [dreg:$0x2];
	[bflag:$0x3] =	sbarrier.arrive $0xFFFF;
	s2 =	simm.s32 @!p0 $0x1C01  }
0xb9: {  	[timem:s3], [sflag:s2] =	dma.local @!p0 [hbm:s0], s1  }
0xba: {  	s0 =	simm.s32 @!p0 $0x1  }
0xbb: {  	_ =	swait.ge @!p0 [sflag:s0], s1  }
0xbc: {  	s1 =	ssub.s32 @!p0 $0x0, s1;
	[sflag:s0] =	ssyncset.done @!p0 $0x0  }
0xbd: {  	[sflag:s0] =	ssyncadd.s32 @!p0 s1  }
0xbe: {  	[bflag:$0x3] =	sbarrier.arrive $0xFFFF  }
0xbf: {  	_ =	shalt  }

// kernel: kernel.8.cloned.1.call-start
scs
__scs_entry_jumppad:
0x0: {  	(pc) =	sbr.rel $0x88, $3  }
0x1: {  	(tag) =	ssettag $0x0;
	lr =	simm.s32 $0x1  }
0x2: {  	[smem:$0x3F9D] =	sst lr;
	_ =	strace $0xD0000000  }
0x3: {  	_ = 	snop  }
0x4: {  	_ = 	snop  }
0x5: {  	_ = 	snop  }
0x6: {  	_ = 	snop  }
0x7: {  	_ = 	snop  }
__scs_overlays_trampoline_lowered:
0x8: {  	[smem:$0x3FAC] =	sst s0  }
0x9: {  	[smem:$0x3FAD] =	sst s1  }
0xa: {  	[smem:$0x3FAE] =	sst s2  }
0xb: {  	[smem:$0x3FAF] =	sst s3  }
0xc: {  	[smem:$0x3FB0] =	sst s4  }
0xd: {  	[smem:$0x3FB1] =	sst s5  }
0xe: {  	[smem:$0x3FB2] =	sst s6  }
0xf: {  	[smem:$0x3FB3] =	sst s7  }
0x10: {  	[smem:$0x3FB4] =	sst s8  }
0x11: {  	[smem:$0x3FB5] =	sst s9;
	s0 =	simm.s32 @!p0 $0x0  }
0x12: {  	s1 =	sld [smem:$0x3F9B];
	s0 =	simm.s32 @p0 $0x1  }
0x13: {  	[smem:$0x3FB6] =	sst s0;
	s0 =	simm.s32 @!p1 $0x0  }
0x14: {  	s2 =	sld [smem:$0x3F9A];
	s0 =	simm.s32 @p1 $0x1  }
0x15: {  	[smem:$0x3FB7] =	sst s0;
	s0 =	simm.s32 @!p2 $0x0  }
0x16: {  	s3 =	sld [smem:$0x3FDB];
	s0 =	simm.s32 @p2 $0x1  }
0x17: {  	s4 =	simm.s32 $0x1BF5;
	[smem:$0x3FB9] =	sst s0  }
0x18: {  	s0 =	sld [smem:$0x3F9C];
	_ =	swait.ge [sflag:s4], $0x0  }
0x19: {  	s7 =	sld [smem:$0x3F9D]  }
0x1a: {  	s8 =	sadd.s32 $0xFFFFE003, lr  }
0x1b: {  	s9 =	sadd.s32 $0xFFFFFEF7, lr;
	s5 =	simm.s32 $0xFFFFFFFF;
	p2 =	slt.u32 s8, $0xFFFFF086  }
0x1c: {  	p1 =	slt.u32 s9, $0xF7A;
	s5 =	simm.s32 @!p2 $0x0  }
0x1d: {  	s5 =	simm.s32 @p1 $0x1;
	p0 =	seq.s32 s7, s2  }
0x1e: {  	s7 =	smul.u32 @!p0 $0xF7A, s2;
	p2 =	seq.s32 @!p0 s5, $0x0  }
0x1f: {  	s9 =	smul.u32 $0xF7A, s1;
	s8 =	simm.s32 @!p0 $0x1BF5;
	p2 =	por !p2, p0  }
0x20: {  	[sflag:s8] =	ssyncset.s32 @!p0 $0xFFFFF086;
	s6 =	sadd.s32 @!p0 s3, s7;
	s7 =	simm.s32 @!p0 $0x108  }
0x21: {  	s3 =	sadd.s32 s3, s9;
	s6 =	sadd.s32 @!p0 $0x88, s6;
	s7 =	simm.s32 @p2 $0x1082  }
0x22: {  	[simem:s7], [sflag:s8] =	dma.local @!p0 [hbm:s6], $0xF7A  }
0x23: {  	s9 =	sor.u32 $0xD0000000, s2;
	s6 =	simm.s32 $0x108;
	_ =	swait.ge @!p0 [sflag:s8], $0x0  }
0x24: {  	s3 =	sadd.s32 $0x88, s3;
	s6 =	simm.s32 @!p1 $0x1082;
	[sflag:s4] =	ssyncset.s32 $0xFFFFF086  }
0x25: {  	[simem:s6], [sflag:s4] =	dma.local [hbm:s3], $0xF7A  }
0x26: {  	[smem:$0x3F9D] =	sst s1;
	(tag) =	ssettag s2;
	_ =	strace s9  }
0x27: {  	s1 =	sld [smem:$0x3FAD]  }
0x28: {  	s2 =	sld [smem:$0x3FAE]  }
0x29: {  	s4 =	sld [smem:$0x3FB0]  }
0x2a: {  	p0 =	seq.s32 s5, $0x0;
	s5 =	sld [smem:$0x3FB1]  }
0x2b: {  	s6 =	sld [smem:$0x3FB2]  }
0x2c: {  	s7 =	sld [smem:$0x3FB3]  }
0x2d: {  	s3 =	simm.s32 $0x108;
	s8 =	sld [smem:$0x3FB4]  }
0x2e: {  	s3 =	simm.s32 @!p0 $0x1082;
	s9 =	sld [smem:$0x3FB5]  }
0x2f: {  	lr =	sadd.s32 s0, s3;
	s0 =	sld [smem:$0x3FAC]  }
0x30: {  	s3 =	sld [smem:$0x3FAF]  }
0x31: {  	[smem:$0x3FB8] =	sst s10  }
0x32: {  	s10 =	sld [smem:$0x3FB6];
	_ =	sdelay $0x3  }
0x33: {  	p0 =	seq.s32 s10, $0x1;
	s10 =	sld [smem:$0x3FB8];
	_ =	sdelay $0x3  }
0x34: {  	[smem:$0x3FB8] =	sst s10  }
0x35: {  	s10 =	sld [smem:$0x3FB7];
	_ =	sdelay $0x3  }
0x36: {  	p1 =	seq.s32 s10, $0x1;
	s10 =	sld [smem:$0x3FB8];
	_ =	sdelay $0x3  }
0x37: {  	[smem:$0x3FB8] =	sst s10  }
0x38: {  	s10 =	sld [smem:$0x3FB9]  }
0x39: {  	_ = 	snop;
	(pc) =	sbr.ind lr, $3  }
0x3a: {  	_ = 	snop  }
0x3b: {  	_ = 	snop  }
0x3c: {  	p2 =	seq.s32 s10, $0x1;
	s10 =	sld [smem:$0x3FB8]  }
0x3d: {  	_ =	shalt  }
0x3e: {  	_ =	shalt  }
0x3f: {  	_ =	shalt  }
0x40: {  	_ =	shalt  }
0x41: {  	_ =	shalt  }
0x42: {  	_ =	shalt  }
0x43: {  	_ =	shalt  }
0x44: {  	_ =	shalt  }
0x45: {  	_ =	shalt  }
0x46: {  	_ =	shalt  }
0x47: {  	_ =	shalt  }
0x48: {  	_ =	shalt  }
0x49: {  	_ =	shalt  }
0x4a: {  	_ =	shalt  }
0x4b: {  	_ =	shalt  }
0x4c: {  	_ =	shalt  }
0x4d: {  	_ =	shalt  }
0x4e: {  	_ =	shalt  }
0x4f: {  	_ =	shalt  }
0x50: {  	_ =	shalt  }
0x51: {  	_ =	shalt  }
0x52: {  	_ =	shalt  }
0x53: {  	_ =	shalt  }
0x54: {  	_ =	shalt  }
0x55: {  	_ =	shalt  }
0x56: {  	_ =	shalt  }
0x57: {  	_ =	shalt  }
0x58: {  	_ =	shalt  }
0x59: {  	_ =	shalt  }
0x5a: {  	_ =	shalt  }
0x5b: {  	_ =	shalt  }
0x5c: {  	_ =	shalt  }
0x5d: {  	_ =	shalt  }
0x5e: {  	_ =	shalt  }
0x5f: {  	_ =	shalt  }
0x60: {  	_ =	shalt  }
0x61: {  	_ =	shalt  }
0x62: {  	_ =	shalt  }
0x63: {  	_ =	shalt  }
0x64: {  	_ =	shalt  }
0x65: {  	_ =	shalt  }
0x66: {  	_ =	shalt  }
0x67: {  	_ =	shalt  }
0x68: {  	_ =	shalt  }
0x69: {  	_ =	shalt  }
0x6a: {  	_ =	shalt  }
0x6b: {  	_ =	shalt  }
0x6c: {  	_ =	shalt  }
0x6d: {  	_ =	shalt  }
0x6e: {  	_ =	shalt  }
0x6f: {  	_ =	shalt  }
0x70: {  	_ =	shalt  }
0x71: {  	_ =	shalt  }
0x72: {  	_ =	shalt  }
0x73: {  	_ =	shalt  }
0x74: {  	_ =	shalt  }
0x75: {  	_ =	shalt  }
0x76: {  	_ =	shalt  }
0x77: {  	_ =	shalt  }
0x78: {  	_ =	shalt  }
0x79: {  	_ =	shalt  }
0x7a: {  	_ =	shalt  }
0x7b: {  	_ =	shalt  }
0x7c: {  	_ =	shalt  }
0x7d: {  	_ =	shalt  }
0x7e: {  	_ =	shalt  }
0x7f: {  	_ =	shalt  }
0x80: {  	_ =	shalt  }
0x81: {  	_ =	shalt  }
0x82: {  	_ =	shalt  }
0x83: {  	_ =	shalt  }
0x84: {  	_ =	shalt  }
0x85: {  	_ =	shalt  }
0x86: {  	_ =	shalt  }
0x87: {  	_ =	shalt  }
.Lfunc_end0:
.L_simem_size_0:
called_computation.1_lowered:
.L_overlay_start_0:
0x88: {  	s2 =	sld [smem:$0x3FD9]  }
0x89: {  	s3 =	sld [smem:$0x3FFE];
	_ =	sdelay $0x1  }
0x8a: {  	s1 =	srdreg.scid  }
0x8b: {  	s0 =	sand.u32 $0x1, s1  }
0x8c: {  	s14 =	sshll.u32 s0, $0xA;
	s2 =	sadd.s32 s3, s2  }
0x8d: {  	s2 =	sadd.s32 s2, s14  }
0x8e: {  	[smem:$0x3FC4] =	sst s2  }
0x8f: {  	_ = 	snop  }
0x90: {  	s2 =	sld [smem:$0x3FD0];
	_ =	sdelay $0x2  }
0x91: {  	s4 =	simm.s32 $0xA;
	s5 =	simm.s32 $0x10;
	s15 =	sld [smem:$0x3FC9]  }
0x92: {  	[smem:s5], [sflag:s4] =	dma.local [hbm:s2], $0x1  }
0x93: {  	_ =	swait.eq [sflag:s4], $0x1  }
0x94: {  	[sflag:s4] =	ssyncset.done $0x0  }
0x95: {  	s16 =	sld [smem:$0x10];
	[sflag:s4] =	ssyncadd.s32 $0xFFFFFFFF  }
0x96: {  	s17 =	sld [smem:$0x11];
	(tm) =	ssettm $0x1  }
0x97: {  	s18 =	sld [smem:$0x3FFB];
	_ =	sdelay $0x3  }
0x98: {  	_ =	strace s18  }
0x99: {  	s5 =	sld [smem:$0x3FFC];
	_ =	sdelay $0x3  }
0x9a: {  	_ =	strace s5  }
0x9b: {  	s5 =	sld [smem:$0x3FFD];
	_ =	sdelay $0x3  }
0x9c: {  	_ =	strace s5  }
0x9d: {  	_ =	strace $0x8FFFFFFF  }
0x9e: {  	s19 =	sld [smem:$0x3FDB];
	_ =	sdelay $0x1  }
0x9f: {  	s6 =	simm.s32 $_scs_section_size  }
0xa0: {  	s7 =	simm.s32 $_size__tile_overlayer_lowered;
	s8 =	simm.s32 $_tile_overlayer_lowered  }
0xa1: {  	s22 =	simm.s32 $0x1BFF;
	s21 =	sshll.u32 s8, $0x1;
	s5 =	sadd.s32 s6, s19  }
0xa2: {  	s9 =	simm.s32 $0x0;
	s20 =	sshll.u32 s7, $0x1;
	s7 =	sadd.s32 s21, s5  }
0xa3: {  	[timem:s9], [sflag:s22] =	dma.local [hbm:s7], s20  }
0xa4: {  	_ =	swait.ge [sflag:s22], s20  }
0xa5: {  	s6 =	ssub.s32 $0x0, s20;
	[sflag:s22] =	ssyncset.done $0x0  }
0xa6: {  	[sflag:s22] =	ssyncadd.s32 s6;
	_ =	sdelay $0x1  }
0xa7: {  	s23 =	simm.s32 $0x1B8B  }
0xa8: {  	_ =	swait.ge [sflag:s23], $0x1  }
0xa9: {  	[sflag:s23] =	ssyncset.done $0x0  }
0xaa: {  	s25 =	simm.s32 $0x1B8E;
	s24 =	sld [smem:$0x3FFE];
	[sflag:s23] =	ssyncadd.s32 $0xFFFFFFFF  }
0xab: {  	s26 =	simm.s32 $execute0_lowered;
	[smem:$0x3FD2] =	sst s25  }
0xac: {  	s7 =	sshll.u32 s26, $0x1;
	_ =	strace $0x80000049;
	[dreg:$0x1] =	wrdreg $0xFFFFFFFF  }
0xad: {  	s28 =	simm.s32 $_size_execute0_lowered;
	s5 =	sadd.s32 s5, s7;
	[dreg:$0x0] =	wrdreg $0x0  }
0xae: {  	s7 =	sshll.u32 s28, $0x1;
	[dreg:$0x2] =	wrdreg s5  }
0xaf: {  	[dreg:$0x3] =	wrdreg s7  }
0xb0: {  	[dreg:$0x4] =	wrdreg $0xC0  }
0xb1: {  	_ =	task [dreg:s9], $0x5FFFF  }
0xb2: {  	[dreg:$0x1] =	wrdreg $0xFFFFFFFF  }
0xb3: {  	[dreg:$0x0] =	wrdreg $0x60  }
0xb4: {  	[dreg:$0x2] =	wrdreg s15  }
0xb5: {  	[dreg:$0x3] =	wrdreg s24  }
0xb6: {  	[dreg:$0x4] =	wrdreg s17  }
0xb7: {  	[dreg:$0x5] =	wrdreg s16  }
0xb8: {  	[dreg:$0x6] =	wrdreg $0x9  }
0xb9: {  	_ =	task.clear_ibuf [dreg:s9], $0x7FFFF;
	_ =	strace $0x90000049  }
0xba: {  	s29 =	simm.s32 $0x9;
	_ =	strace $0x8000004B  }
0xbb: {  	_ =	swait.ge [sflag:s29], $0x1  }
0xbc: {  	[sflag:s29] =	ssyncadd.s32 $0xFFFFFFFF  }
0xbd: {  	_ =	strace $0x9000004B  }
0xbe: {  	_ =	sfence  }
0xbf: {  	s30 =	sld [smem:$0x0];
	_ =	sdelay $0x2  }
0xc0: {  	s31 =	sshll.u32 s1, $0xD;
	s1 =	sshrl.u32 s1, $0x2  }
0xc1: {  	s3 =	sand.u32 $0x4000, s31;
	s1 =	sadd.s32 s1, s30  }
0xc2: {  	s0 =	sor.u32 s3, s0;
	s1 =	sshll.u32 s1, $0x11  }
0xc3: {  	s0 =	sor.u32 s1, s0  }
0xc4: {  	s0 =	sadd.s32 $0x8F2B, s0  }
0xc5: {  	[sflag:s0] =	ssyncadd.remote.s32 $0x1  }
0xc6: {  	_ =	sfence.sel $0xFFFF  }
0xc7: {  	[dreg:$0x0] =	wrdreg $0xFFFFFFFF;
	(pc) =	sbr.abs _section_cstart, $3  }
0xc8: {  	[dreg:$0x1] =	wrdreg $0xFFFFFFFF  }
0xc9: {  	_ =	task.clear_ibuf [dreg:s9], $0x2FFFF;
	_ =	strace $0x9FFFFFFF  }
0xca: {  	(tm) =	ssettm $0x7FFFFFFF  }
0xcb: {  	_ =	shalt  }
tec
execute0_lowered:
.L_overlay_start_1:
0x0: {  	(tag) =	ssettag $0x1  }
0x1: {  	s1 =	rddreg [dreg:$0x0]  }
0x2: {  	s7 =	rddreg [dreg:$0x1]  }
0x3: {  	s2 =	rddreg [dreg:$0x2]  }
0x4: {  	s3 =	rddreg [dreg:$0x3]  }
0x5: {  	s4 =	srdreg.scid;
	s0 =	rddreg [dreg:$0x4]  }
0x6: {  	s5 =	simm.s32 $0x0;
	s11 =	simm.s32 $0x1;
	s12 =	simm.s32 $0x19480  }
0x7: {  	s13 =	simm.s32 $0x11080;
	s14 =	simm.s32 $0x0;
	[smem:$0x7FF] =	sst s5  }
.Ltmp0:
0x8: {  	s6 =	sand.u32 $0x1, s4;
	s4 =	stileid.u32;
	(pc) =	sbr.rel .LBB2_1-.Ltmp0, $4  }
0x9: {  	v0 =	vlaneseq.u32;
	s7 =	sadd.s32 $0xC00, s7;
	s8 =	ssub.s32 $0x2, s6;
	s10 =	sshll.u32 s4, $0x3  }
0xa: {  	v1 =	vmul.u32 $0x80, v0;
	v2 =	vmul.u32 $0x8000, v0;
	s6 =	sshll.u32 s6, $0x2;
	_ =	strace $0x8000004A;
	s9 =	sshrl.u32 s8, $0x1  }
0xb: {  	s6 =	sor.u32 s6, s10;
	s10 =	simm.s32 $0x2;
	s8 =	ssub.s32 s8, s9  }
0xc: {  	v3 =	vor.u32 $0x800, v1;
	v4 =	vor.u32 $0x80000, v2;
	p0 =	seq.s32 s6, $0x0;
	s9 =	simm.s32 $0x10000;
	s8 =	smax.u32 s8, $0x1  }
.LBB2_33:
0xd: {  	s14 =	sadd.s32 $0x1, s14  }
0xe: {  	p1 =	sne.s32 s14, s8  }
.Ltmp1:
0xf: {  	_ = 	snop;
	(pc) =	sbr.rel @!p1 .LBB2_34-.Ltmp1, $1  }
0x10: {  	_ =	sdelay $0x3  }
.LBB2_1:
.Ltmp2:
0x11: {  	(pc) =	sbr.rel @p0 .LBB2_2-.Ltmp2, $4  }
0x12: {  	[tilespmem:s9], [sflag:$0x2] =	stream.linear.gather [hbm4b:s2+s5], $0x1000, $0x38;
	[tilespmem:$0x19A00] =	vst v63  }
0x13: {  	_ =	swait.ge [sflag:s10], $0x1000  }
0x14: {  	[sflag:s10] =	ssyncset.done $0x0  }
0x15: {  	v5 =	vimm.s32 $0x0;
	[sflag:s10] =	ssyncadd.s32 $0xFFFFF000  }
0x16: {  	p2 =	sne.s32 s6, $0x1  }
.Ltmp3:
0x17: {  	_ = 	snop;
	(pc) =	sbr.rel @!p2 .LBB2_4-.Ltmp3, $2  }
0x18: {  	_ =	sdelay $0x2  }
0x19: {  	s16 =	simm.s32 $0x1;
	v12 =	vadd.s32 s5, v1;
	v7 =	vadd.s32 s5, v3;
	p1 =	por $0x0, $0x0  }
0x1a: {  	p2 =	sne.s32 s6, $0x2  }
.Ltmp4:
0x1b: {  	_ = 	snop;
	(pc) =	sbr.rel @!p2 .LBB2_6-.Ltmp4, $3  }
0x1c: {  	_ =	sdelay $0x1  }
0x1d: {  	v6 =	vld.idx.msk [tilespmem:v7+s9+$0x0], $0xffff;
	v11 =	vadd.s32 s16, v1  }
0x1e: {  	s15 =	simm.s32 $0x2;
	v7 =	vadd.s32 s16, v3;
	v8 =	vld.idx.msk [tilespmem:v12+s9+$0x0], $0xffff;
	p1 =	por $0x1, $0x1;
	v9 =	vimm.s32 $0x0;
	v10 =	vimm.s32 $0x0  }
.LBB2_7:
0x1f: {  	s16 =	smov.u32 s15;
	s15 =	sadd.s32 $0x1, s15  }
0x20: {  	p2 =	sne.s32 s6, s15  }
.Ltmp5:
0x21: {  	_ = 	snop;
	(pc) =	sbr.rel @p2 .LBB2_7-.Ltmp5, $3  }
0x22: {  	_ =	sdelay $0x1  }
0x23: {  	v9 =	vadd.s32 v9, v6;
	v6 =	vld.idx.msk [tilespmem:v7+s9+$0x0], $0xffff  }
0x24: {  	v7 =	vadd.s32 s16, v3;
	v10 =	vadd.s32 v10, v8;
	v8 =	vld.idx.msk [tilespmem:v11+s9+$0x0], $0xffff;
	v11 =	vadd.s32 s16, v1  }
0x25: {  	v12 =	vmov v11  }
.LBB2_9:
0x26: {  	_ =	sdelay $0x3  }
0x27: {  	v7 =	vld.idx.msk [tilespmem:v7+s9+$0x0], $0xffff  }
0x28: {  	v11 =	vld.idx.msk [tilespmem:v12+s9+$0x0], $0xffff  }
.Ltmp6:
0x29: {  	_ = 	snop;
	(pc) =	sbr.rel .LBB2_10-.Ltmp6, $4  }
0x2a: {  	_ = 	snop  }
0x2b: {  	v6 =	vadd.s32 @p1 v9, v6;
	v8 =	vadd.s32 @p1 v10, v8  }
0x2c: {  	v6 =	vpsel p1, v6, v5;
	v8 =	vpsel p1, v8, v5  }
0x2d: {  	v5 =	vadd.s32 v6, v7;
	v6 =	vadd.s32 v8, v11  }
.LBB2_2:
0x2e: {  	v6 =	vimm.s32 $0x0  }
.LBB2_10:
.Ltmp7:
0x2f: {  	(pc) =	sbr.rel .LBB2_11-.Ltmp7, $2  }
0x30: {  	_ =	sdelay $0x2  }
0x31: {  	s15 =	simm.s32 $0x0  }
.LBB2_32:
0x32: {  	s15 =	sadd.s32 $0x1, s15  }
0x33: {  	p1 =	sne.s32 s15, $0x4  }
.Ltmp8:
0x34: {  	s16 =	sadd.s32 s3, s16;
	(pc) =	sbr.rel @!p1 .LBB2_33-.Ltmp8, $4  }
0x35: {  	[hbm4b:s16+s5] =	stream.linear.scatter [tilespmem:s5], [sflag:$0x2], $0x10000, $0x38;
	[tilespmem:$0x19A00] =	vst v63  }
0x36: {  	_ =	swait.ge [sflag:s10], $0x10000  }
0x37: {  	[sflag:s10] =	ssyncset.done $0x0  }
0x38: {  	v6 =	vadd.s32 v6, v7;
	v5 =	vadd.s32 v5, v8;
	[sflag:s10] =	ssyncadd.s32 $0xFFFF0000  }
.LBB2_11:
0x39: {  	s16 =	sor.u32 s6, s15  }
0x3a: {  	v7 =	vor.u32 s16, v1  }
0x3b: {  	v8 =	vor.u32 s16, v3;
	_ =	sdelay $0x3  }
0x3c: {  	v7 =	vld.idx.msk [tilespmem:v7+s9+$0x0], $0xffff  }
0x3d: {  	v8 =	vld.idx.msk [tilespmem:v8+s9+$0x0], $0xffff  }
0x3e: {  	v9 =	vadd.s32 v2, v6  }
0x3f: {  	[tilespmem:$0x19900] =	vst v9;
	v9 =	vadd.s32 v4, v5  }
0x40: {  	[tilespmem:$0x19910] =	vst v9  }
0x41: {  	[tilespmem:$0x19920] =	vst v7  }
0x42: {  	s17 =	simm.s32 $0x0;
	[tilespmem:$0x19930] =	vst v8  }
0x43: {  	v9 =	vld [tilespmem:s17+$0x19900];
	_ =	sdelay $0x4  }
0x44: {  	(v2sf) =	vpush v9, $0x0;
	_ =	sdelay $0xe  }
0x45: {  	s30 =	spop (v2sf)  }
0x46: {  	s17 =	sshrl.u32 s30, $0x2  }
0x47: {  	s18 =	sand.u32 $0x1FFFFFFE, s17  }
0x48: {  	s31 =	simm.s32 $0x1;
	s17 =	simm.s32 $0x11080;
	s18 =	sadd.s32 s7, s18  }
0x49: {  	[tilespmem:s17], [sflag:$0x1] =	stream.linear.gather [hbm4b:s18+s5], $0x420, $0x38;
	[tilespmem:$0x19A00] =	vst v63  }
0x4a: {  	s18 =	simm.s32 $0x8;
	v9 =	vld [tilespmem:s31+$0x19900]  }
.LBB2_12:
0x4b: {  	p1 =	sne.s32 s18, $0x7C;
	_ =	sdelay $0x3  }
0x4c: {  	(v2sf) =	vpush v9, $0x0;
	_ =	sdelay $0xe  }
0x4d: {  	s19 =	spop (v2sf)  }
.Ltmp9:
0x4e: {  	s19 =	sshrl.u32 s19, $0x2;
	(pc) =	sbr.rel @p1 .LBB2_12-.Ltmp9, $4  }
0x4f: {  	s19 =	sand.u32 $0x1FFFFFFE, s19  }
0x50: {  	s20 =	sshra.s32 s18, $0x2;
	s17 =	sadd.s32 $0x420, s17;
	s19 =	sadd.s32 s7, s19  }
0x51: {  	[tilespmem:s17], [sflag:$0x1] =	stream.linear.gather [hbm4b:s19+s5], $0x420, $0x38;
	[tilespmem:$0x19A00] =	vst v63  }
0x52: {  	s18 =	sadd.s32 $0x4, s18;
	v9 =	vld [tilespmem:s20+$0x19900]  }
0x53: {  	_ =	sdelay $0x3  }
0x54: {  	(v2sf) =	vpush v9, $0x0;
	_ =	sdelay $0xe  }
0x55: {  	s18 =	spop (v2sf)  }
0x56: {  	s18 =	sshrl.u32 s18, $0x2  }
0x57: {  	s18 =	sand.u32 $0x1FFFFFFE, s18  }
0x58: {  	s17 =	sadd.s32 $0x420, s17;
	s16 =	sshll.u32 s16, $0xD;
	s18 =	sadd.s32 s7, s18  }
0x59: {  	[tilespmem:s17], [sflag:$0x1] =	stream.linear.gather [hbm4b:s18+s5], $0x420, $0x38;
	[tilespmem:$0x19A00] =	vst v63  }
0x5a: {  	s31 =	simm.s32 $0x0;
	s30 =	sadd.s32 s1, s16  }
0x5b: {  	[tilespmem:s31], [sflag:$0x2] =	stream.linear.gather [hbm4b:s30+s31], $0x10000, $0x38;
	[tilespmem:$0x19A00] =	vst v63  }
0x5c: {  	_ =	swait.ge [sflag:s10], $0x10000  }
0x5d: {  	[sflag:s10] =	ssyncset.done $0x0  }
0x5e: {  	s17 =	simm.s32 $0x0;
	[sflag:s10] =	ssyncadd.s32 $0xFFFF0000  }
0x5f: {  	v9 =	vld [tilespmem:s17+$0x0]  }
0x60: {  	v11 =	vld [tilespmem:s17+$0x10]  }
0x61: {  	s18 =	simm.s32 $0x100;
	v10 =	vld [tilespmem:s17+$0x20]  }
.LBB2_14:
0x62: {  	p1 =	sne.s32 s18, $0x3FF00;
	v12 =	vld [tilespmem:s17+$0x30];
	_ =	sdelay $0x1  }
0x63: {  	v9 =	vmul.f32 $9.499999880e-01, v9  }
.Ltmp10:
0x64: {  	v11 =	vmul.f32 $9.499999880e-01, v11;
	(pc) =	sbr.rel @p1 .LBB2_14-.Ltmp10, $4  }
0x65: {  	s19 =	sshra.s32 s18, $0x2;
	[tilespmem:s17+$0x0] =	vst v9;
	v10 =	vmul.f32 $9.499999880e-01, v10  }
0x66: {  	v9 =	vld [tilespmem:s19+$0x0];
	[tilespmem:s17+$0x10] =	vst v11;
	v12 =	vmul.f32 $9.499999880e-01, v12  }
0x67: {  	v11 =	vld [tilespmem:s19+$0x10];
	[tilespmem:s17+$0x20] =	vst v10  }
0x68: {  	s18 =	sadd.s32 $0x100, s18;
	v10 =	vld [tilespmem:s19+$0x20];
	[tilespmem:s17+$0x30] =	vst v12;
	s17 =	smov.u32 s19  }
0x69: {  	v12 =	vld [tilespmem:s17+$0x30];
	_ =	sdelay $0x1  }
0x6a: {  	v9 =	vmul.f32 $9.499999880e-01, v9  }
0x6b: {  	v11 =	vmul.f32 $9.499999880e-01, v11  }
0x6c: {  	[tilespmem:s17+$0x0] =	vst v9;
	v9 =	vmul.f32 $9.499999880e-01, v10  }
0x6d: {  	[tilespmem:s17+$0x10] =	vst v11;
	v10 =	vmul.f32 $9.499999880e-01, v12  }
0x6e: {  	[tilespmem:s17+$0x20] =	vst v9  }
0x6f: {  	[tilespmem:s17+$0x30] =	vst v10  }
0x70: {  	_ =	swait.ge [sflag:s11], $0x420  }
0x71: {  	[sflag:s11] =	ssyncset.done $0x0  }
0x72: {  	[sflag:s11] =	ssyncadd.s32 $0xFFFFFBE0  }
0x73: {  	_ =	swait.ge [sflag:s11], $0x420  }
0x74: {  	[sflag:s11] =	ssyncset.done $0x0  }
0x75: {  	[sflag:s11] =	ssyncadd.s32 $0xFFFFFBE0  }
0x76: {  	_ =	swait.ge [sflag:s11], $0x420  }
0x77: {  	[sflag:s11] =	ssyncset.done $0x0  }
0x78: {  	[sflag:s11] =	ssyncadd.s32 $0xFFFFFBE0  }
0x79: {  	_ =	swait.ge [sflag:s11], $0x420  }
0x7a: {  	[sflag:s11] =	ssyncset.done $0x0  }
0x7b: {  	[sflag:s11] =	ssyncadd.s32 $0xFFFFFBE0  }
0x7c: {  	_ =	swait.ge [sflag:s11], $0x420  }
0x7d: {  	[sflag:s11] =	ssyncset.done $0x0  }
0x7e: {  	[sflag:s11] =	ssyncadd.s32 $0xFFFFFBE0  }
0x7f: {  	_ =	swait.ge [sflag:s11], $0x420  }
0x80: {  	[sflag:s11] =	ssyncset.done $0x0  }
0x81: {  	[sflag:s11] =	ssyncadd.s32 $0xFFFFFBE0  }
0x82: {  	_ =	swait.ge [sflag:s11], $0x420  }
0x83: {  	[sflag:s11] =	ssyncset.done $0x0  }
0x84: {  	[sflag:s11] =	ssyncadd.s32 $0xFFFFFBE0  }
0x85: {  	_ =	swait.ge [sflag:s11], $0x420  }
0x86: {  	[sflag:s11] =	ssyncset.done $0x0  }
0x87: {  	[sflag:s11] =	ssyncadd.s32 $0xFFFFFBE0  }
0x88: {  	_ =	swait.ge [sflag:s11], $0x420  }
0x89: {  	[sflag:s11] =	ssyncset.done $0x0  }
0x8a: {  	[sflag:s11] =	ssyncadd.s32 $0xFFFFFBE0  }
0x8b: {  	_ =	swait.ge [sflag:s11], $0x420  }
0x8c: {  	[sflag:s11] =	ssyncset.done $0x0  }
0x8d: {  	[sflag:s11] =	ssyncadd.s32 $0xFFFFFBE0  }
0x8e: {  	_ =	swait.ge [sflag:s11], $0x420  }
0x8f: {  	[sflag:s11] =	ssyncset.done $0x0  }
0x90: {  	[sflag:s11] =	ssyncadd.s32 $0xFFFFFBE0  }
0x91: {  	_ =	swait.ge [sflag:s11], $0x420  }
0x92: {  	[sflag:s11] =	ssyncset.done $0x0  }
0x93: {  	[sflag:s11] =	ssyncadd.s32 $0xFFFFFBE0  }
0x94: {  	_ =	swait.ge [sflag:s11], $0x420  }
0x95: {  	[sflag:s11] =	ssyncset.done $0x0  }
0x96: {  	[sflag:s11] =	ssyncadd.s32 $0xFFFFFBE0  }
0x97: {  	_ =	swait.ge [sflag:s11], $0x420  }
0x98: {  	[sflag:s11] =	ssyncset.done $0x0  }
0x99: {  	[sflag:s11] =	ssyncadd.s32 $0xFFFFFBE0  }
0x9a: {  	_ =	swait.ge [sflag:s11], $0x420  }
0x9b: {  	[sflag:s11] =	ssyncset.done $0x0  }
0x9c: {  	[sflag:s11] =	ssyncadd.s32 $0xFFFFFBE0  }
0x9d: {  	_ =	swait.ge [sflag:s11], $0x420  }
0x9e: {  	[sflag:s11] =	ssyncset.done $0x0  }
0x9f: {  	[sflag:s11] =	ssyncadd.s32 $0xFFFFFBE0  }
0xa0: {  	_ =	swait.ge [sflag:s11], $0x420  }
0xa1: {  	[sflag:s11] =	ssyncset.done $0x0  }
0xa2: {  	[sflag:s11] =	ssyncadd.s32 $0xFFFFFBE0  }
0xa3: {  	_ =	swait.ge [sflag:s11], $0x420  }
0xa4: {  	[sflag:s11] =	ssyncset.done $0x0  }
0xa5: {  	[sflag:s11] =	ssyncadd.s32 $0xFFFFFBE0  }
0xa6: {  	_ =	swait.ge [sflag:s11], $0x420  }
0xa7: {  	[sflag:s11] =	ssyncset.done $0x0  }
0xa8: {  	[sflag:s11] =	ssyncadd.s32 $0xFFFFFBE0  }
0xa9: {  	_ =	swait.ge [sflag:s11], $0x420  }
0xaa: {  	[sflag:s11] =	ssyncset.done $0x0  }
0xab: {  	[sflag:s11] =	ssyncadd.s32 $0xFFFFFBE0  }
0xac: {  	_ =	swait.ge [sflag:s11], $0x420  }
0xad: {  	[sflag:s11] =	ssyncset.done $0x0  }
0xae: {  	[sflag:s11] =	ssyncadd.s32 $0xFFFFFBE0  }
0xaf: {  	_ =	swait.ge [sflag:s11], $0x420  }
0xb0: {  	[sflag:s11] =	ssyncset.done $0x0  }
0xb1: {  	[sflag:s11] =	ssyncadd.s32 $0xFFFFFBE0  }
0xb2: {  	_ =	swait.ge [sflag:s11], $0x420  }
0xb3: {  	[sflag:s11] =	ssyncset.done $0x0  }
0xb4: {  	[sflag:s11] =	ssyncadd.s32 $0xFFFFFBE0  }
0xb5: {  	_ =	swait.ge [sflag:s11], $0x420  }
0xb6: {  	[sflag:s11] =	ssyncset.done $0x0  }
0xb7: {  	[sflag:s11] =	ssyncadd.s32 $0xFFFFFBE0  }
0xb8: {  	_ =	swait.ge [sflag:s11], $0x420  }
0xb9: {  	[sflag:s11] =	ssyncset.done $0x0  }
0xba: {  	[sflag:s11] =	ssyncadd.s32 $0xFFFFFBE0  }
0xbb: {  	_ =	swait.ge [sflag:s11], $0x420  }
0xbc: {  	[sflag:s11] =	ssyncset.done $0x0  }
0xbd: {  	[sflag:s11] =	ssyncadd.s32 $0xFFFFFBE0  }
0xbe: {  	_ =	swait.ge [sflag:s11], $0x420  }
0xbf: {  	[sflag:s11] =	ssyncset.done $0x0  }
0xc0: {  	[sflag:s11] =	ssyncadd.s32 $0xFFFFFBE0  }
0xc1: {  	_ =	swait.ge [sflag:s11], $0x420  }
0xc2: {  	[sflag:s11] =	ssyncset.done $0x0  }
0xc3: {  	[sflag:s11] =	ssyncadd.s32 $0xFFFFFBE0  }
0xc4: {  	_ =	swait.ge [sflag:s11], $0x420  }
0xc5: {  	[sflag:s11] =	ssyncset.done $0x0  }
0xc6: {  	[sflag:s11] =	ssyncadd.s32 $0xFFFFFBE0  }
0xc7: {  	_ =	swait.ge [sflag:s11], $0x420  }
0xc8: {  	[sflag:s11] =	ssyncset.done $0x0  }
0xc9: {  	[sflag:s11] =	ssyncadd.s32 $0xFFFFFBE0  }
0xca: {  	_ =	swait.ge [sflag:s11], $0x420  }
.Ltmp11:
0xcb: {  	[sflag:s11] =	ssyncset.done $0x0;
	(pc) =	sbr.rel .LBB2_16-.Ltmp11, $4  }
0xcc: {  	[sflag:s11] =	ssyncadd.s32 $0xFFFFFBE0  }
0xcd: {  	_ =	swait.ge [sflag:s11], $0x420  }
0xce: {  	[sflag:s11] =	ssyncset.done $0x0  }
0xcf: {  	s17 =	simm.s32 $0x0;
	[sflag:s11] =	ssyncadd.s32 $0xFFFFFBE0  }
.LBB2_31:
0xd0: {  	s17 =	sadd.s32 $0x1, s17  }
0xd1: {  	p1 =	sne.s32 s17, $0x20  }
.Ltmp12:
0xd2: {  	_ = 	snop;
	(pc) =	sbr.rel @!p1 .LBB2_32-.Ltmp12, $1  }
0xd3: {  	_ =	sdelay $0x3  }
.LBB2_16:
0xd4: {  	v9 =	vld [tilespmem:s17+$0x19900]  }
0xd5: {  	v11 =	vld [tilespmem:s17+$0x19920];
	_ =	sdelay $0x3  }
0xd6: {  	(v2sf) =	vpush v9, $0x0  }
0xd7: {  	(v2sf) =	vpush v11, $0x0;
	_ =	sdelay $0xd  }
0xd8: {  	s18 =	spop (v2sf)  }
0xd9: {  	s19 =	spop (v2sf)  }
0xda: {  	s20 =	sand.u32 $0x7, s18;
	p1 =	slt.s32 s19, $0x200;
	s22 =	smov.u32 s19  }
0xdb: {  	s21 =	sadd.s32 $0xF, s20;
	s22 =	simm.s32 @!p1 $0x200  }
0xdc: {  	s22 =	sadd.s32 s22, s21  }
0xdd: {  	s22 =	sshrl.u32 s22, $0x4  }
0xde: {  	p1 =	seq.s32 s22, $0x0  }
.Ltmp13:
0xdf: {  	_ = 	snop;
	(pc) =	sbr.rel @p1 .LBB2_22-.Ltmp13, $1  }
0xe0: {  	_ =	sdelay $0x3  }
.Ltmp14:
0xe1: {  	(pc) =	sbr.rel .LBB2_18-.Ltmp14, $4  }
0xe2: {  	_ = 	snop  }
0xe3: {  	s23 =	smul.u32 $0x420, s17  }
0xe4: {  	s31 =	sor.u32 $0x200, s20;
	v10 =	vmov s20  }
0xe5: {  	v13 =	vbroadcast v11, $0x0;
	v12 =	vmov s31;
	v9 =	vmov s23;
	s23 =	simm.s32 $0x0  }
.LBB2_21:
0xe6: {  	s23 =	sadd.s32 $0x1, s23  }
0xe7: {  	p1 =	sne.s32 s23, s22  }
.Ltmp15:
0xe8: {  	_ = 	snop;
	(pc) =	sbr.rel @!p1 .LBB2_22-.Ltmp15, $1  }
0xe9: {  	_ =	sdelay $0x3  }
.LBB2_18:
0xea: {  	s24 =	sshll.u32 s23, $0x4  }
0xeb: {  	v14 =	vor.u32 s24, v0  }
0xec: {  	v15 =	vsub.s32 v14, v10  }
0xed: {  	vm0 =	vlt.s32 v14, v12;
	vm1 =	vlt.s32 v15, v13  }
0xee: {  	vm2 =	vge.s32 v14, v10;
	vm0 =	vmand vm0, vm1  }
0xef: {  	vm0 =	vmand vm0, vm2  }
0xf0: {  	v15 =	vmpcnt.ones.xlane vm0;
	_ =	sdelay $0x1  }
0xf1: {  	(v2sf) =	vpush v15, $0x0;
	_ =	sdelay $0xd  }
0xf2: {  	v14 =	vshll.u32 v14, $0x1  }
0xf3: {  	v14 =	vadd.s32 v9, v14;
	s31 =	spop (v2sf)  }
0xf4: {  	v16 =	vor.u32 $0x1, v14;
	p1 =	seq.s32 s31, $0x0  }
.Ltmp16:
0xf5: {  	_ = 	snop;
	(pc) =	sbr.rel @p1 .LBB2_21-.Ltmp16, $3  }
0xf6: {  	_ =	sdelay $0x1  }
0xf7: {  	v15 =	vld.idx.msk [tilespmem:v14+s13+$0x0], $0xffff  }
0xf8: {  	v14 =	vld.idx.msk [tilespmem:v16+s13+$0x0], $0xffff  }
0xf9: {  	_ =	sdelay $0x2  }
0xfa: {  	v15 =	vand.u32 $0xFFFF, v15  }
.LBB2_20:
0xfb: {  	v16 =	vld.idx.msk [tilespmem:v15+s5+$0x0], vm0;
	_ =	sdelay $0x4  }
0xfc: {  	v16 =	vmax.f32 v16, v14  }
0xfd: {  	[tilespmem:v15+s5+$0x0] =	vst.idx.msk vm0, v16  }
0xfe: {  	v16 =	vld.idx.msk [tilespmem:v15+s5+$0x0], vm0;
	_ =	sdelay $0x4  }
0xff: {  	vm1 =	vlt.f32 v16, v14  }
0x100: {  	vm0 =	vmand vm0, vm1  }
0x101: {  	v16 =	vmpcnt.ones.xlane vm0;
	_ =	sdelay $0x1  }
0x102: {  	(v2sf) =	vpush v16, $0x0;
	_ =	sdelay $0xe  }
0x103: {  	s24 =	spop (v2sf)  }
0x104: {  	p1 =	sne.s32 s24, $0x0  }
.Ltmp17:
0x105: {  	_ = 	snop;
	(pc) =	sbr.rel @p1 .LBB2_20-.Ltmp17, $1  }
0x106: {  	_ =	sdelay $0x3  }
.Ltmp18:
0x107: {  	_ = 	snop;
	(pc) =	sbr.rel .LBB2_21-.Ltmp18, $1  }
0x108: {  	_ =	sdelay $0x3  }
.LBB2_22:
0x109: {  	s22 =	sadd.s32 $0x1FF, s19  }
0x10a: {  	p1 =	slt.u32 s22, $0x400  }
.Ltmp19:
0x10b: {  	_ = 	snop;
	(pc) =	sbr.rel @p1 .LBB2_31-.Ltmp19, $1  }
0x10c: {  	_ =	sdelay $0x3  }
.Ltmp20:
0x10d: {  	(pc) =	sbr.rel .LBB2_24-.Ltmp20, $3  }
0x10e: {  	_ =	sdelay $0x1  }
0x10f: {  	s23 =	sor.u32 $0x200, s20  }
0x110: {  	s22 =	sshrl.u32 s22, $0x9;
	v9 =	vmov s20;
	v11 =	vbroadcast v11, $0x0;
	s24 =	smov.u32 s19;
	v10 =	vmov s23;
	s23 =	simm.s32 $0x1  }
.LBB2_30:
0x111: {  	s23 =	sadd.s32 $0x1, s23  }
0x112: {  	p1 =	sne.s32 s23, s22  }
.Ltmp21:
0x113: {  	_ = 	snop;
	(pc) =	sbr.rel @!p1 .LBB2_31-.Ltmp21, $1  }
0x114: {  	_ =	sdelay $0x3  }
.LBB2_24:
0x115: {  	s25 =	sshll.u32 s23, $0x9  }
0x116: {  	s26 =	sadd.s32 s18, s25  }
0x117: {  	s26 =	sshrl.u32 s26, $0x2  }
0x118: {  	s26 =	sand.u32 $0x1FFFFFFE, s26  }
0x119: {  	s26 =	sadd.s32 s7, s26  }
0x11a: {  	[tilespmem:s12], [sflag:$0x2] =	stream.linear.gather [hbm4b:s26+s5], $0x420, $0x38;
	[tilespmem:$0x19A00] =	vst v63  }
0x11b: {  	s26 =	ssub.s32 s19, s25  }
0x11c: {  	p1 =	slt.s32 s26, $0x200  }
0x11d: {  	s26 =	simm.s32 @!p1 $0x200  }
0x11e: {  	s26 =	sadd.s32 s26, s21  }
0x11f: {  	p1 =	slt.u32 s26, $0x10  }
.Ltmp22:
0x120: {  	_ = 	snop;
	(pc) =	sbr.rel @p1 .LBB2_30-.Ltmp22, $4  }
0x121: {  	_ = 	snop  }
0x122: {  	_ =	swait.ge [sflag:s10], $0x420  }
0x123: {  	[sflag:s10] =	ssyncset.done $0x0  }
0x124: {  	s24 =	sadd.s32 $0xFFFFFE00, s24;
	[sflag:s10] =	ssyncadd.s32 $0xFFFFFBE0  }
.Ltmp23:
0x125: {  	(pc) =	sbr.rel .LBB2_26-.Ltmp23, $4  }
0x126: {  	p1 =	slt.s32 s24, $0x200;
	s26 =	smov.u32 s24  }
0x127: {  	s26 =	simm.s32 @!p1 $0x200  }
0x128: {  	s28 =	ssub.s32 s25, s20;
	s26 =	sadd.s32 s26, s21  }
0x129: {  	v12 =	vmov s28;
	s25 =	sshrl.u32 s26, $0x4;
	s26 =	simm.s32 $0x0  }
.LBB2_29:
0x12a: {  	s26 =	sadd.s32 $0x1, s26  }
0x12b: {  	p1 =	sne.s32 s26, s25  }
.Ltmp24:
0x12c: {  	_ = 	snop;
	(pc) =	sbr.rel @!p1 .LBB2_30-.Ltmp24, $1  }
0x12d: {  	_ =	sdelay $0x3  }
.LBB2_26:
0x12e: {  	s28 =	sshll.u32 s26, $0x4  }
0x12f: {  	v13 =	vor.u32 s28, v0  }
0x130: {  	v14 =	vadd.s32 v13, v12  }
0x131: {  	vm0 =	vlt.s32 v13, v10;
	vm1 =	vlt.s32 v14, v11  }
0x132: {  	vm2 =	vge.s32 v13, v9;
	vm0 =	vmand vm0, vm1  }
0x133: {  	vm0 =	vmand vm0, vm2  }
0x134: {  	v14 =	vmpcnt.ones.xlane vm0;
	_ =	sdelay $0x1  }
0x135: {  	(v2sf) =	vpush v14, $0x0;
	_ =	sdelay $0xe  }
0x136: {  	v13 =	vshll.u32 v13, $0x1;
	s31 =	spop (v2sf)  }
0x137: {  	v15 =	vor.u32 $0x1, v13;
	p1 =	seq.s32 s31, $0x0  }
.Ltmp25:
0x138: {  	_ = 	snop;
	(pc) =	sbr.rel @p1 .LBB2_29-.Ltmp25, $3  }
0x139: {  	_ =	sdelay $0x1  }
0x13a: {  	v14 =	vld.idx.msk [tilespmem:v13+s12+$0x0], $0xffff  }
0x13b: {  	v13 =	vld.idx.msk [tilespmem:v15+s12+$0x0], $0xffff  }
0x13c: {  	_ =	sdelay $0x2  }
0x13d: {  	v14 =	vand.u32 $0xFFFF, v14  }
.LBB2_28:
0x13e: {  	v15 =	vld.idx.msk [tilespmem:v14+s5+$0x0], vm0;
	_ =	sdelay $0x4  }
0x13f: {  	v15 =	vmax.f32 v15, v13  }
0x140: {  	[tilespmem:v14+s5+$0x0] =	vst.idx.msk vm0, v15  }
0x141: {  	v15 =	vld.idx.msk [tilespmem:v14+s5+$0x0], vm0;
	_ =	sdelay $0x4  }
0x142: {  	vm1 =	vlt.f32 v15, v13  }
0x143: {  	vm0 =	vmand vm0, vm1  }
0x144: {  	v15 =	vmpcnt.ones.xlane vm0;
	_ =	sdelay $0x1  }
0x145: {  	(v2sf) =	vpush v15, $0x0;
	_ =	sdelay $0xe  }
0x146: {  	s28 =	spop (v2sf)  }
0x147: {  	p1 =	sne.s32 s28, $0x0  }
.Ltmp26:
0x148: {  	_ = 	snop;
	(pc) =	sbr.rel @p1 .LBB2_28-.Ltmp26, $1  }
0x149: {  	_ =	sdelay $0x3  }
.Ltmp27:
0x14a: {  	_ = 	snop;
	(pc) =	sbr.rel .LBB2_29-.Ltmp27, $1  }
0x14b: {  	_ =	sdelay $0x3  }
.LBB2_4:
.Ltmp28:
0x14c: {  	(pc) =	sbr.rel .LBB2_9-.Ltmp28, $2  }
0x14d: {  	_ =	sdelay $0x2  }
0x14e: {  	v9 =	vimm.s32 $0x0;
	v10 =	vimm.s32 $0x0  }
.LBB2_6:
.Ltmp29:
0x14f: {  	(pc) =	sbr.rel .LBB2_9-.Ltmp29, $2  }
0x150: {  	_ =	sdelay $0x2  }
0x151: {  	v9 =	vimm.s32 $0x0;
	v12 =	vmov v11;
	v10 =	vimm.s32 $0x0  }
.LBB2_34:
0x152: {  	_ =	sfence.sel $0x180000  }
0x153: {  	[bflag:$0x0] =	sbarrier.arrive $0xFFFF  }
0x154: {  	p0 =	sne.s32 s4, $0x0;
	_ =	strace $0x9000004A  }
0x155: {  	s0 =	sadd.s32 @!p0 $0x100000, s0;
	[bflag:$0x2] =	sbarrier.arrive $0xFFFF  }
0x156: {  	[sflag:s0] =	ssyncadd.tile.s32 @!p0 $0x1;
	_ =	shalt  }
.Lfunc_end2:
_tile_overlayer_lowered:
.L_overlay_start_2:
0x157: {  	(tag) =	ssettag $0x2  }
0x158: {  	s0 =	rddreg [dreg:$0x0];
	s2 =	stileid.u32  }
0x159: {  	s1 =	rddreg [dreg:$0x1];
	p0 =	sne.s32 s2, $0x0  }
0x15a: {  	s3 =	rddreg [dreg:$0x2];
	[bflag:$0x3] =	sbarrier.arrive $0xFFFF;
	s2 =	simm.s32 @!p0 $0x1C02  }
0x15b: {  	[timem:s3], [sflag:s2] =	dma.local @!p0 [hbm:s0], s1  }
0x15c: {  	s0 =	simm.s32 @!p0 $0x2  }
0x15d: {  	_ =	swait.ge @!p0 [sflag:s0], s1  }
0x15e: {  	s1 =	ssub.s32 @!p0 $0x0, s1;
	[sflag:s0] =	ssyncset.done @!p0 $0x0  }
0x15f: {  	[sflag:s0] =	ssyncadd.s32 @!p0 s1  }
0x160: {  	[bflag:$0x3] =	sbarrier.arrive $0xFFFF  }
0x161: {  	_ =	shalt  }

</sc_bundles>
